<compile_context>
chip_gen: v7x
topology: tpu7x:2x2x1
jax: 0.10.2.dev20260603
libtpu: 0.0.44.dev20260713+nightly
codegen_flags: <defaults>
</compile_context>

<pallas_src>
import functools

import jax
import jax.numpy as jnp
from jax import lax
from jax.experimental import pallas as pl
from jax.experimental.pallas import tpu as pltpu
from jax.experimental.pallas import tpu_sc as plsc

N = 10000
E = 320000
F_IN = 128
HID = 128
C_OUT = 40
C_PAD = 48

NC = 2
NS = 16
NW = NC * NS
EPT = E // NW
K = 80
NCH = EPT // K

NPAD = 10240
RPT = NPAD // NS
ZROWS = 64
ZCOPIES = RPT // ZROWS

_mesh = plsc.VectorSubcoreMesh(core_axis_name="c", subcore_axis_name="s")


def _worker_id():
    return lax.axis_index("s") * NC + lax.axis_index("c")


def _fill_zeros_2d(ref, rows, cols):
    def body(t, _):
        r = t // (cols // 16)
        c = t % (cols // 16)
        ref[r, pl.ds(c * 16, 16)] = jnp.zeros((16,), jnp.float32)
        return 0
    lax.fori_loop(0, rows * (cols // 16), body, 0)


def _fill_1d(ref, n, value):
    def body(t, _):
        ref[pl.ds(t * 16, 16)] = jnp.full((16,), value, jnp.float32)
        return 0
    lax.fori_loop(0, n // 16, body, 0)


@functools.partial(
    pl.kernel,
    out_type=jax.ShapeDtypeStruct((NC, NPAD), jnp.float32),
    mesh=_mesh,
    scratch_types=[
        pltpu.VMEM((K,), jnp.int32),
        pltpu.VMEM((K,), jnp.float32),
        pltpu.VMEM((RPT,), jnp.float32),
        pltpu.VMEM_SHARED((NPAD,), jnp.float32),
    ],
)
def _sc_deg(col_hbm, out_hbm, col_v, ones_v, zero_v, acc):
    cid = lax.axis_index("c")
    sid = lax.axis_index("s")
    wid = _worker_id()

    _fill_1d(ones_v, K, 1.0)
    _fill_1d(zero_v, RPT, 0.0)
    pltpu.sync_copy(zero_v, acc.at[pl.ds(sid * RPT, RPT)])
    plsc.subcore_barrier()

    def body(i, _):
        pltpu.sync_copy(col_hbm.at[wid, i], col_v)
        pltpu.sync_copy(ones_v, acc.at[col_v], add=True)
        return 0
    lax.fori_loop(0, NCH, body, 0)

    plsc.subcore_barrier()
    pltpu.sync_copy(acc.at[pl.ds(sid * RPT, RPT)],
                    out_hbm.at[cid, pl.ds(sid * RPT, RPT)])


def _make_prop(d):
    @functools.partial(
        pl.kernel,
        out_type=jax.ShapeDtypeStruct((NC, NPAD, d), jnp.float32),
        mesh=_mesh,
        scratch_types=[
            pltpu.VMEM((K,), jnp.int32),
            pltpu.VMEM((K,), jnp.int32),
            pltpu.VMEM((K, d), jnp.float32),
            pltpu.VMEM((ZROWS, d), jnp.float32),
            pltpu.VMEM_SHARED((NPAD, d), jnp.float32),
            pltpu.SemaphoreType.DMA,
        ],
        compiler_params=pltpu.CompilerParams(use_tc_tiling_on_sc=False),
    )
    def prop(g_hbm, row_hbm, col_hbm, out_hbm,
             row_v, col_v, rows_v, zero_v, acc, sem):
        cid = lax.axis_index("c")
        sid = lax.axis_index("s")
        wid = _worker_id()

        _fill_zeros_2d(zero_v, ZROWS, d)

        def zbody(j, _):
            pltpu.sync_copy(zero_v, acc.at[pl.ds(sid * RPT + j * ZROWS, ZROWS)])
            return 0
        lax.fori_loop(0, ZCOPIES, zbody, 0)
        plsc.subcore_barrier()

        def body(i, _):
            pltpu.sync_copy(row_hbm.at[wid, i], row_v)
            pltpu.sync_copy(col_hbm.at[wid, i], col_v)
            pltpu.async_copy(g_hbm.at[row_v], rows_v, sem).wait()
            pltpu.sync_copy(rows_v, acc.at[col_v], add=True)
            return 0
        lax.fori_loop(0, NCH, body, 0)

        plsc.subcore_barrier()
        pltpu.sync_copy(acc.at[pl.ds(sid * RPT, RPT)],
                        out_hbm.at[cid, pl.ds(sid * RPT, RPT)])
    return prop


_sc_prop128 = _make_prop(HID)
_sc_prop48 = _make_prop(C_PAD)


BLK = 1000
GRID = N // BLK


def _tc1_body(deg_ref, x_ref, w_ref, g_ref, dinv_ref):
    deg = deg_ref[0] + deg_ref[1] + 1.0
    dinv = lax.rsqrt(deg)
    h = jnp.dot(x_ref[...], w_ref[...], preferred_element_type=jnp.float32)
    g_ref[...] = h * dinv
    dinv_ref[...] = dinv


def _tc1(deg2, x, w1t):
    return pl.pallas_call(
        _tc1_body,
        grid=(GRID,),
        in_specs=[
            pl.BlockSpec((NC, BLK, 1), lambda i: (0, i, 0)),
            pl.BlockSpec((BLK, F_IN), lambda i: (i, 0)),
            pl.BlockSpec((F_IN, HID), lambda i: (0, 0)),
        ],
        out_specs=[
            pl.BlockSpec((BLK, HID), lambda i: (i, 0)),
            pl.BlockSpec((BLK, 1), lambda i: (i, 0)),
        ],
        out_shape=[
            jax.ShapeDtypeStruct((N, HID), jnp.float32),
            jax.ShapeDtypeStruct((N, 1), jnp.float32),
        ],
    )(deg2, x, w1t)


def _tc2_body(p_ref, g1_ref, dinv_ref, b1_ref, w_ref, g2_ref):
    s = p_ref[0] + p_ref[1] + g1_ref[...]
    out1 = jnp.maximum(dinv_ref[...] * s + b1_ref[...], 0.0)
    h2 = jnp.dot(out1, w_ref[...], preferred_element_type=jnp.float32)
    g2_ref[...] = h2 * dinv_ref[...]


def _tc2(p1, g1, dinv, b1, w2t):
    return pl.pallas_call(
        _tc2_body,
        grid=(GRID,),
        in_specs=[
            pl.BlockSpec((NC, BLK, HID), lambda i: (0, i, 0)),
            pl.BlockSpec((BLK, HID), lambda i: (i, 0)),
            pl.BlockSpec((BLK, 1), lambda i: (i, 0)),
            pl.BlockSpec((1, HID), lambda i: (0, 0)),
            pl.BlockSpec((HID, C_PAD), lambda i: (0, 0)),
        ],
        out_specs=pl.BlockSpec((BLK, C_PAD), lambda i: (i, 0)),
        out_shape=jax.ShapeDtypeStruct((N, C_PAD), jnp.float32),
    )(p1, g1, dinv, b1, w2t)


def _tc3_body(q_ref, g2_ref, dinv_ref, b2_ref, out_ref):
    s = q_ref[0] + q_ref[1] + g2_ref[...]
    out_ref[...] = dinv_ref[...] * s + b2_ref[...]


def _tc3(q, g2, dinv, b2):
    return pl.pallas_call(
        _tc3_body,
        grid=(GRID,),
        in_specs=[
            pl.BlockSpec((NC, BLK, C_PAD), lambda i: (0, i, 0)),
            pl.BlockSpec((BLK, C_PAD), lambda i: (i, 0)),
            pl.BlockSpec((BLK, 1), lambda i: (i, 0)),
            pl.BlockSpec((1, C_PAD), lambda i: (0, 0)),
        ],
        out_specs=pl.BlockSpec((BLK, C_PAD), lambda i: (i, 0)),
        out_shape=jax.ShapeDtypeStruct((N, C_PAD), jnp.float32),
    )(q, g2, dinv, b2)


def kernel(x, edge_index, W1, b1, W2, b2):
    row = edge_index[0].reshape(NW, NCH, K)
    col = edge_index[1].reshape(NW, NCH, K)

    deg2 = _sc_deg(col).reshape(NC, NPAD, 1)
    g1, dinv = _tc1(deg2, x, W1.T)
    p1 = _sc_prop128(g1, row, col)

    w2t = jnp.zeros((HID, C_PAD), jnp.float32).at[:, :C_OUT].set(W2.T)
    b1r = b1.reshape(1, HID)
    b2r = jnp.zeros((1, C_PAD), jnp.float32).at[0, :C_OUT].set(b2)

    g2 = _tc2(p1, g1, dinv, b1r, w2t)
    q = _sc_prop48(g2, row, col)
    out = _tc3(q, g2, dinv, b2r)
    return out[:, :C_OUT]

# --- scband reference (transcript-rebuilt; emitter-appended) ---
"""Pipeline reference for scband-surrogate-gcn-49400713838982 (READ-ONLY COPY).

The authoritative reference and input builder live on the scoring server;
editing this copy changes nothing except your own understanding.
"""

import jax, jax.numpy as jnp
import numpy as np

N_NODES = 10000
N_EDGES = 320000
F_IN = 128
HIDDEN = 128
N_CLASSES = 40

def setup_inputs(seed: int = 0):
    key = jax.random.key(seed)
    k1, k2, k3, k4 = jax.random.split(key, 4)
    x = jax.random.normal(k1, (N_NODES, F_IN), dtype=jnp.float32)
    edge_index = jax.random.randint(k2, (2, N_EDGES), 0, N_NODES, dtype=jnp.int32)
    # PyG Linear weights are [out_features, in_features]
    W1 = jax.random.normal(k3, (HIDDEN, F_IN), dtype=jnp.float32) * (1.0 / np.sqrt(F_IN))
    b1 = jnp.zeros((HIDDEN,), dtype=jnp.float32)
    W2 = jax.random.normal(k4, (N_CLASSES, HIDDEN), dtype=jnp.float32) * (1.0 / np.sqrt(HIDDEN))
    b2 = jnp.zeros((N_CLASSES,), dtype=jnp.float32)
    return {"x": x, "edge_index": edge_index, "W1": W1, "b1": b1, "W2": W2, "b2": b2}

def _gcn_conv(x, row, col, W, b, n):
    # GCNConv with add_self_loops=True, normalize=True, edge_weight=None (ones)
    loop = jnp.arange(n, dtype=row.dtype)
    r = jnp.concatenate([row, loop])
    c = jnp.concatenate([col, loop])
    ew = jnp.ones(r.shape[0], dtype=x.dtype)
    deg = jnp.zeros(n, dtype=x.dtype).at[c].add(ew)
    dinv = jnp.where(deg > 0, jax.lax.rsqrt(jnp.maximum(deg, 1e-12)), 0.0)
    norm = dinv[r] * ew * dinv[c]
    h = x @ W.T
    msg = h[r] * norm[:, None]
    out = jnp.zeros((n, W.shape[0]), dtype=x.dtype).at[c].add(msg)
    return out + b

def reference(x, edge_index, W1, b1, W2, b2):
    n = x.shape[0]
    row, col = edge_index[0], edge_index[1]
    h = _gcn_conv(x, row, col, W1, b1, n)
    h = jax.nn.relu(h)
    # F.dropout is identity in eval mode
    out = _gcn_conv(h, row, col, W2, b2, n)
    return out

if __name__ == "__main__":
    import jax
    _d = setup_inputs()
    print(jax.jit(kernel)(*tuple(_d.values())))

</pallas_src>

<mosaic_0001>
#map = affine_map<(d0, d1) -> (0, 0)>
#map1 = affine_map<(d0, d1) -> (0, 0, 0)>
module attributes {stable_mosaic.version = 14 : i64} {
  func.func @prop(%arg0: i32, %arg1: i32, %arg2: memref<10000x128xf32, #tpu.memory_space<hbm>>, %arg3: memref<32x125x80xi32, #tpu.memory_space<hbm>>, %arg4: memref<32x125x80xi32, #tpu.memory_space<hbm>>, %arg5: memref<2x10240x128xf32, #tpu.memory_space<hbm>>, %arg6: memref<80xi32, #tpu.memory_space<vmem>>, %arg7: memref<80xi32, #tpu.memory_space<vmem>>, %arg8: memref<80x128xf32, #tpu.memory_space<vmem>>, %arg9: memref<64x128xf32, #tpu.memory_space<vmem>>, %arg10: memref<10240x128xf32, #tpu.memory_space<vmem_shared>>, %arg11: memref<!tpu.dma_semaphore, #tpu.memory_space<semaphore_mem>>) attributes {dimension_semantics = [#tpu.dimension_semantics<core_parallel>, #tpu.dimension_semantics<subcore_parallel>], iteration_bounds = array<i64: 2, 16>, scalar_prefetch = 0 : i64, scratch_operands = 6 : i64, tpu.core_type = #tpu.core_type<sc_vector_subcore>, window_params = [{transform_indices = #map}, {transform_indices = #map1}, {transform_indices = #map1}, {transform_indices = #map1}]} {
    %mul3A = arith.constant 2 : i32
    %mul3A_0 = arith.muli %arg1, %mul3A : i32
    %add3A = arith.addi %mul3A_0, %arg0 : i32
    %scan3A = arith.constant 0 : i32
    %scan3A_1 = arith.constant 0 : i32
    %scan3A_2 = arith.constant 512 : i32
    %scan3A_3 = arith.addi %scan3A_1, %scan3A_2 : i32
    %scan3A_4 = arith.constant 1 : i32
    %scan3A_5 = scf.for %scan3A_26 = %scan3A_1 to %scan3A_3 step %scan3A_4 iter_args(%scan3A_27 = %scan3A) -> (i32)  : i32 {
      %jit3A = arith.constant 8 : i32
      %div3A = arith.divsi %scan3A_26, %jit3A : i32
      %sign3A = arith.constant 0 : i32
      %sign3A_28 = arith.cmpi sgt, %scan3A_26, %sign3A : i32
      %sign3A_29 = arith.extui %sign3A_28 : i1 to i32
      %sign3A_30 = arith.constant 0 : i32
      %sign3A_31 = arith.cmpi slt, %scan3A_26, %sign3A_30 : i32
      %sign3A_32 = arith.extui %sign3A_31 : i1 to i32
      %sign3A_33 = arith.subi %sign3A_29, %sign3A_32 : i32
      %sign3A_34 = arith.constant 0 : i32
      %sign3A_35 = arith.cmpi sgt, %jit3A, %sign3A_34 : i32
      %sign3A_36 = arith.extui %sign3A_35 : i1 to i32
      %sign3A_37 = arith.constant 0 : i32
      %sign3A_38 = arith.cmpi slt, %jit3A, %sign3A_37 : i32
      %sign3A_39 = arith.extui %sign3A_38 : i1 to i32
      %sign3A_40 = arith.subi %sign3A_36, %sign3A_39 : i32
      %ne3A = arith.cmpi ne, %sign3A_33, %sign3A_40 : i32
      %rem3A = arith.remsi %scan3A_26, %jit3A : i32
      %ne3A_41 = arith.constant 0 : i32
      %ne3A_42 = arith.cmpi ne, %rem3A, %ne3A_41 : i32
      %and3A = arith.andi %ne3A, %ne3A_42 : i1
      %sub3A = arith.constant 1 : i32
      %sub3A_43 = arith.subi %div3A, %sub3A : i32
      %select_n3A = arith.select %and3A, %sub3A_43, %div3A : i32
      %jit3A_44 = arith.constant 8 : i32
      %eq3A = arith.constant 0 : i32
      %eq3A_45 = arith.cmpi eq, %jit3A_44, %eq3A : i32
      %jit3A_46 = arith.constant 1 : i32
      %select_n3A_47 = arith.select %eq3A_45, %jit3A_46, %jit3A_44 : i32
      %rem3A_48 = arith.remsi %scan3A_26, %select_n3A_47 : i32
      %ne3A_49 = arith.constant 0 : i32
      %ne3A_50 = arith.cmpi ne, %rem3A_48, %ne3A_49 : i32
      %lt3A = arith.constant 0 : i32
      %lt3A_51 = arith.cmpi slt, %rem3A_48, %lt3A : i32
      %lt3A_52 = arith.constant 0 : i32
      %lt3A_53 = arith.cmpi slt, %select_n3A_47, %lt3A_52 : i32
      %ne3A_54 = arith.xori %lt3A_51, %lt3A_53 : i1
      %and3A_55 = arith.andi %ne3A_54, %ne3A_50 : i1
      %add3A_56 = arith.addi %rem3A_48, %select_n3A_47 : i32
      %select_n3A_57 = arith.select %and3A_55, %add3A_56, %rem3A_48 : i32
      %broadcast_in_dim3A = arith.constant 0.000000e+00 : f32
      %broadcast_in_dim3A_58 = vector.broadcast %broadcast_in_dim3A : f32 to vector<16xf32>
      %mul3A_59 = arith.constant 16 : i32
      %mul3A_60 = arith.muli %select_n3A_57, %mul3A_59 : i32
      %swap3A = arith.index_cast %select_n3A : i32 to index
      %swap3A_61 = arith.index_cast %mul3A_60 : i32 to index
      %swap3A_62 = tpu.vector_load %arg9[%swap3A, %swap3A_61] {strides = array<i32>} : memref<64x128xf32, #tpu.memory_space<vmem>>, vector<1x16xf32>,
      %swap3A_63 = vector.shape_cast %swap3A_62 : vector<1x16xf32> to vector<16xf32>
      %swap3A_64 = vector.shape_cast %broadcast_in_dim3A_58 : vector<16xf32> to vector<1x16xf32>
      tpu.vector_store %arg9[%swap3A, %swap3A_61], %swap3A_64 {strides = array<i32>} : memref<64x128xf32, #tpu.memory_space<vmem>>, vector<1x16xf32>,
      %scan3A_65 = arith.constant 0 : i32
      scf.yield %scan3A_65 : i32
    }
    %scan3A_6 = arith.constant 512 : i32
    %scan3A_7 = arith.constant 0 : i32
    %scan3A_8 = arith.constant 0 : i32
    %scan3A_9 = arith.constant 10 : i32
    %scan3A_10 = arith.addi %scan3A_8, %scan3A_9 : i32
    %scan3A_11 = arith.constant 1 : i32
    %scan3A_12 = scf.for %scan3A_26 = %scan3A_8 to %scan3A_10 step %scan3A_11 iter_args(%scan3A_27 = %scan3A_7) -> (i32)  : i32 {
      %mul3A_28 = arith.constant 640 : i32
      %mul3A_29 = arith.muli %arg1, %mul3A_28 : i32
      %mul3A_30 = arith.constant 64 : i32
      %mul3A_31 = arith.muli %scan3A_26, %mul3A_30 : i32
      %add3A_32 = arith.addi %mul3A_29, %mul3A_31 : i32
      "tpu.region"() ({
        %run_scoped3A = tpu.sem_alloc : memref<!tpu.dma_semaphore, #tpu.memory_space<semaphore_mem>>
        %dma_start3A = arith.constant 0 : i32
        %dma_start3A_34 = tpu.memref_slice %arg10[%add3A_32, %dma_start3A] : memref<10240x128xf32, #tpu.memory_space<vmem_shared>> -> memref<64x128xf32, #tpu.memory_space<vmem_shared>>
        %dma_start3A_35 = arith.constant 0 : i32
        %dma_start3A_36 = tpu.memref_slice %arg10[%add3A_32, %dma_start3A_35] : memref<10240x128xf32, #tpu.memory_space<vmem_shared>> -> memref<64x128xf32, #tpu.memory_space<vmem_shared>>
        tpu.enqueue_dma source(%arg9 : memref<64x128xf32, #tpu.memory_space<vmem>>) target(%dma_start3A_36 : memref<64x128xf32, #tpu.memory_space<vmem_shared>>) target_semaphore(%run_scoped3A : memref<!tpu.dma_semaphore, #tpu.memory_space<semaphore_mem>>)
        %dma_wait3A = arith.constant 0 : i32
        %dma_wait3A_37 = tpu.memref_slice %arg10[%add3A_32, %dma_wait3A] : memref<10240x128xf32, #tpu.memory_space<vmem_shared>> -> memref<64x128xf32, #tpu.memory_space<vmem_shared>>
        %dma_wait3A_38 = arith.constant 0 : i32
        %dma_wait3A_39 = tpu.memref_slice %arg10[%add3A_32, %dma_wait3A_38] : memref<10240x128xf32, #tpu.memory_space<vmem_shared>> -> memref<64x128xf32, #tpu.memory_space<vmem_shared>>
        tpu.wait_dma2 semaphore(%run_scoped3A : memref<!tpu.dma_semaphore, #tpu.memory_space<semaphore_mem>>) src(%arg9 : memref<64x128xf32, #tpu.memory_space<vmem>>) dst(%dma_wait3A_39 : memref<64x128xf32, #tpu.memory_space<vmem_shared>>)
        tpu.yield
      }) : () -> ()
      %scan3A_33 = arith.constant 0 : i32
      scf.yield %scan3A_33 : i32
    }
    %scan3A_13 = arith.constant 10 : i32
    %barrier3A = arith.constant 0 : index
    tpu.barrier barrier_id(%barrier3A)
    %scan3A_14 = arith.constant 0 : i32
    %scan3A_15 = arith.constant 0 : i32
    %scan3A_16 = arith.constant 125 : i32
    %scan3A_17 = arith.addi %scan3A_15, %scan3A_16 : i32
    %scan3A_18 = arith.constant 1 : i32
    %scan3A_19 = scf.for %scan3A_26 = %scan3A_15 to %scan3A_17 step %scan3A_18 iter_args(%scan3A_27 = %scan3A_14) -> (i32)  : i32 {
      "tpu.region"() ({
        %run_scoped3A = tpu.sem_alloc : memref<!tpu.dma_semaphore, #tpu.memory_space<semaphore_mem>>
        %dma_start3A_33 = arith.constant 0 : i32
        %dma_start3A_34 = tpu.memref_slice %arg3[%add3A, %scan3A_26, %dma_start3A_33] : memref<32x125x80xi32, #tpu.memory_space<hbm>> -> memref<1x1x80xi32, #tpu.memory_space<hbm>>
        %dma_start3A_35 = tpu.memref_squeeze %dma_start3A_34 : memref<1x1x80xi32, #tpu.memory_space<hbm>> -> memref<80xi32, #tpu.memory_space<hbm>>
        %dma_start3A_36 = arith.constant 0 : i32
        %dma_start3A_37 = tpu.memref_slice %arg3[%add3A, %scan3A_26, %dma_start3A_36] : memref<32x125x80xi32, #tpu.memory_space<hbm>> -> memref<1x1x80xi32, #tpu.memory_space<hbm>>
        %dma_start3A_38 = tpu.memref_squeeze %dma_start3A_37 : memref<1x1x80xi32, #tpu.memory_space<hbm>> -> memref<80xi32, #tpu.memory_space<hbm>>
        tpu.enqueue_dma source(%dma_start3A_38 : memref<80xi32, #tpu.memory_space<hbm>>) target(%arg6 : memref<80xi32, #tpu.memory_space<vmem>>) target_semaphore(%run_scoped3A : memref<!tpu.dma_semaphore, #tpu.memory_space<semaphore_mem>>)
        %dma_wait3A_39 = arith.constant 0 : i32
        %dma_wait3A_40 = tpu.memref_slice %arg3[%add3A, %scan3A_26, %dma_wait3A_39] : memref<32x125x80xi32, #tpu.memory_space<hbm>> -> memref<1x1x80xi32, #tpu.memory_space<hbm>>
        %dma_wait3A_41 = tpu.memref_squeeze %dma_wait3A_40 : memref<1x1x80xi32, #tpu.memory_space<hbm>> -> memref<80xi32, #tpu.memory_space<hbm>>
        %dma_wait3A_42 = arith.constant 0 : i32
        %dma_wait3A_43 = tpu.memref_slice %arg3[%add3A, %scan3A_26, %dma_wait3A_42] : memref<32x125x80xi32, #tpu.memory_space<hbm>> -> memref<1x1x80xi32, #tpu.memory_space<hbm>>
        %dma_wait3A_44 = tpu.memref_squeeze %dma_wait3A_43 : memref<1x1x80xi32, #tpu.memory_space<hbm>> -> memref<80xi32, #tpu.memory_space<hbm>>
        tpu.wait_dma2 semaphore(%run_scoped3A : memref<!tpu.dma_semaphore, #tpu.memory_space<semaphore_mem>>) src(%dma_wait3A_44 : memref<80xi32, #tpu.memory_space<hbm>>) dst(%arg6 : memref<80xi32, #tpu.memory_space<vmem>>)
        tpu.yield
      }) : () -> ()
      "tpu.region"() ({
        %run_scoped3A = tpu.sem_alloc : memref<!tpu.dma_semaphore, #tpu.memory_space<semaphore_mem>>
        %dma_start3A_33 = arith.constant 0 : i32
        %dma_start3A_34 = tpu.memref_slice %arg4[%add3A, %scan3A_26, %dma_start3A_33] : memref<32x125x80xi32, #tpu.memory_space<hbm>> -> memref<1x1x80xi32, #tpu.memory_space<hbm>>
        %dma_start3A_35 = tpu.memref_squeeze %dma_start3A_34 : memref<1x1x80xi32, #tpu.memory_space<hbm>> -> memref<80xi32, #tpu.memory_space<hbm>>
        %dma_start3A_36 = arith.constant 0 : i32
        %dma_start3A_37 = tpu.memref_slice %arg4[%add3A, %scan3A_26, %dma_start3A_36] : memref<32x125x80xi32, #tpu.memory_space<hbm>> -> memref<1x1x80xi32, #tpu.memory_space<hbm>>
        %dma_start3A_38 = tpu.memref_squeeze %dma_start3A_37 : memref<1x1x80xi32, #tpu.memory_space<hbm>> -> memref<80xi32, #tpu.memory_space<hbm>>
        tpu.enqueue_dma source(%dma_start3A_38 : memref<80xi32, #tpu.memory_space<hbm>>) target(%arg7 : memref<80xi32, #tpu.memory_space<vmem>>) target_semaphore(%run_scoped3A : memref<!tpu.dma_semaphore, #tpu.memory_space<semaphore_mem>>)
        %dma_wait3A_39 = arith.constant 0 : i32
        %dma_wait3A_40 = tpu.memref_slice %arg4[%add3A, %scan3A_26, %dma_wait3A_39] : memref<32x125x80xi32, #tpu.memory_space<hbm>> -> memref<1x1x80xi32, #tpu.memory_space<hbm>>
        %dma_wait3A_41 = tpu.memref_squeeze %dma_wait3A_40 : memref<1x1x80xi32, #tpu.memory_space<hbm>> -> memref<80xi32, #tpu.memory_space<hbm>>
        %dma_wait3A_42 = arith.constant 0 : i32
        %dma_wait3A_43 = tpu.memref_slice %arg4[%add3A, %scan3A_26, %dma_wait3A_42] : memref<32x125x80xi32, #tpu.memory_space<hbm>> -> memref<1x1x80xi32, #tpu.memory_space<hbm>>
        %dma_wait3A_44 = tpu.memref_squeeze %dma_wait3A_43 : memref<1x1x80xi32, #tpu.memory_space<hbm>> -> memref<80xi32, #tpu.memory_space<hbm>>
        tpu.wait_dma2 semaphore(%run_scoped3A : memref<!tpu.dma_semaphore, #tpu.memory_space<semaphore_mem>>) src(%dma_wait3A_44 : memref<80xi32, #tpu.memory_space<hbm>>) dst(%arg7 : memref<80xi32, #tpu.memory_space<vmem>>)
        tpu.yield
      }) : () -> ()
      %dma_start3A = arith.constant 0 : i32
      %dma_start3A_28 = arith.constant 0 : i32
      %dma_start3A_29 = tpu.memref_slice %arg2[%dma_start3A, %dma_start3A_28] : memref<10000x128xf32, #tpu.memory_space<hbm>> -> memref<10000x128xf32, #tpu.memory_space<hbm>>
      tpu.enqueue_indirect_dma source(%dma_start3A_29 : memref<10000x128xf32, #tpu.memory_space<hbm>>) target(%arg8 : memref<80x128xf32, #tpu.memory_space<vmem>>) offsets(%arg6 : memref<80xi32, #tpu.memory_space<vmem>>) semaphore(%arg11 : memref<!tpu.dma_semaphore, #tpu.memory_space<semaphore_mem>>)
      %dma_wait3A = arith.constant 0 : i32
      %dma_wait3A_30 = arith.constant 0 : i32
      %dma_wait3A_31 = tpu.memref_slice %arg2[%dma_wait3A, %dma_wait3A_30] : memref<10000x128xf32, #tpu.memory_space<hbm>> -> memref<10000x128xf32, #tpu.memory_space<hbm>>
      tpu.wait_indirect_dma semaphore(%arg11 : memref<!tpu.dma_semaphore, #tpu.memory_space<semaphore_mem>>) src(%dma_wait3A_31 : memref<10000x128xf32, #tpu.memory_space<hbm>>) dst(%arg8 : memref<80x128xf32, #tpu.memory_space<vmem>>)
      "tpu.region"() ({
        %run_scoped3A = tpu.sem_alloc : memref<!tpu.dma_semaphore, #tpu.memory_space<semaphore_mem>>
        %dma_start3A_33 = arith.constant 0 : i32
        %dma_start3A_34 = arith.constant 0 : i32
        %dma_start3A_35 = tpu.memref_slice %arg10[%dma_start3A_33, %dma_start3A_34] : memref<10240x128xf32, #tpu.memory_space<vmem_shared>> -> memref<10240x128xf32, #tpu.memory_space<vmem_shared>>
        tpu.enqueue_indirect_dma source(%arg8 : memref<80x128xf32, #tpu.memory_space<vmem>>) target(%dma_start3A_35 : memref<10240x128xf32, #tpu.memory_space<vmem_shared>>) offsets(%arg7 : memref<80xi32, #tpu.memory_space<vmem>>) semaphore(%run_scoped3A : memref<!tpu.dma_semaphore, #tpu.memory_space<semaphore_mem>>) {add = true}
        %dma_wait3A_36 = arith.constant 0 : i32
        %dma_wait3A_37 = arith.constant 0 : i32
        %dma_wait3A_38 = tpu.memref_slice %arg10[%dma_wait3A_36, %dma_wait3A_37] : memref<10240x128xf32, #tpu.memory_space<vmem_shared>> -> memref<10240x128xf32, #tpu.memory_space<vmem_shared>>
        tpu.wait_indirect_dma semaphore(%run_scoped3A : memref<!tpu.dma_semaphore, #tpu.memory_space<semaphore_mem>>) src(%arg8 : memref<80x128xf32, #tpu.memory_space<vmem>>) dst(%dma_wait3A_38 : memref<10240x128xf32, #tpu.memory_space<vmem_shared>>)
        tpu.yield
      }) : () -> ()
      %scan3A_32 = arith.constant 0 : i32
      scf.yield %scan3A_32 : i32
    }
    %scan3A_20 = arith.constant 125 : i32
    %barrier3A_21 = arith.constant 0 : index
    tpu.barrier barrier_id(%barrier3A_21)
    %mul3A_22 = arith.constant 640 : i32
    %mul3A_23 = arith.muli %arg1, %mul3A_22 : i32
    %mul3A_24 = arith.constant 640 : i32
    %mul3A_25 = arith.muli %arg1, %mul3A_24 : i32
    "tpu.region"() ({
      %run_scoped3A = tpu.sem_alloc : memref<!tpu.dma_semaphore, #tpu.memory_space<semaphore_mem>>
      %dma_start3A = arith.constant 0 : i32
      %dma_start3A_26 = tpu.memref_slice %arg5[%arg0, %mul3A_25, %dma_start3A] : memref<2x10240x128xf32, #tpu.memory_space<hbm>> -> memref<1x640x128xf32, #tpu.memory_space<hbm>>
      %dma_start3A_27 = tpu.memref_squeeze %dma_start3A_26 : memref<1x640x128xf32, #tpu.memory_space<hbm>> -> memref<640x128xf32, #tpu.memory_space<hbm>>
      %dma_start3A_28 = arith.constant 0 : i32
      %dma_start3A_29 = tpu.memref_slice %arg10[%mul3A_23, %dma_start3A_28] : memref<10240x128xf32, #tpu.memory_space<vmem_shared>> -> memref<640x128xf32, #tpu.memory_space<vmem_shared>>
      tpu.enqueue_dma source(%dma_start3A_29 : memref<640x128xf32, #tpu.memory_space<vmem_shared>>) target(%dma_start3A_27 : memref<640x128xf32, #tpu.memory_space<hbm>>) target_semaphore(%run_scoped3A : memref<!tpu.dma_semaphore, #tpu.memory_space<semaphore_mem>>)
      %dma_wait3A = arith.constant 0 : i32
      %dma_wait3A_30 = tpu.memref_slice %arg5[%arg0, %mul3A_25, %dma_wait3A] : memref<2x10240x128xf32, #tpu.memory_space<hbm>> -> memref<1x640x128xf32, #tpu.memory_space<hbm>>
      %dma_wait3A_31 = tpu.memref_squeeze %dma_wait3A_30 : memref<1x640x128xf32, #tpu.memory_space<hbm>> -> memref<640x128xf32, #tpu.memory_space<hbm>>
      %dma_wait3A_32 = arith.constant 0 : i32
      %dma_wait3A_33 = tpu.memref_slice %arg10[%mul3A_23, %dma_wait3A_32] : memref<10240x128xf32, #tpu.memory_space<vmem_shared>> -> memref<640x128xf32, #tpu.memory_space<vmem_shared>>
      tpu.wait_dma2 semaphore(%run_scoped3A : memref<!tpu.dma_semaphore, #tpu.memory_space<semaphore_mem>>) src(%dma_wait3A_33 : memref<640x128xf32, #tpu.memory_space<vmem_shared>>) dst(%dma_wait3A_31 : memref<640x128xf32, #tpu.memory_space<hbm>>)
      tpu.yield
    }) : () -> ()
    return
  }
}

#map = affine_map<(d0, d1) -> (0, 0, 0)>
#map1 = affine_map<(d0, d1) -> (0, 0)>
module attributes {stable_mosaic.version = 14 : i64} {
  func.func @_sc_deg(%arg0: i32, %arg1: i32, %arg2: memref<32x125x80xi32, #tpu.memory_space<hbm>>, %arg3: memref<2x10240xf32, #tpu.memory_space<hbm>>, %arg4: memref<80xi32, #tpu.memory_space<vmem>>, %arg5: memref<80xf32, #tpu.memory_space<vmem>>, %arg6: memref<640xf32, #tpu.memory_space<vmem>>, %arg7: memref<10240xf32, #tpu.memory_space<vmem_shared>>) attributes {dimension_semantics = [#tpu.dimension_semantics<core_parallel>, #tpu.dimension_semantics<subcore_parallel>], iteration_bounds = array<i64: 2, 16>, scalar_prefetch = 0 : i64, scratch_operands = 4 : i64, tpu.core_type = #tpu.core_type<sc_vector_subcore>, window_params = [{transform_indices = #map}, {transform_indices = #map1}]} {
    %mul3A = arith.constant 2 : i32
    %mul3A_0 = arith.muli %arg1, %mul3A : i32
    %add3A = arith.addi %mul3A_0, %arg0 : i32
    %scan3A = arith.constant 0 : i32
    %scan3A_1 = arith.constant 0 : i32
    %scan3A_2 = arith.constant 5 : i32
    %scan3A_3 = arith.addi %scan3A_1, %scan3A_2 : i32
    %scan3A_4 = arith.constant 1 : i32
    %scan3A_5 = scf.for %scan3A_28 = %scan3A_1 to %scan3A_3 step %scan3A_4 iter_args(%scan3A_29 = %scan3A) -> (i32)  : i32 {
      %broadcast_in_dim3A = arith.constant 1.000000e+00 : f32
      %broadcast_in_dim3A_30 = vector.broadcast %broadcast_in_dim3A : f32 to vector<16xf32>
      %mul3A_31 = arith.constant 16 : i32
      %mul3A_32 = arith.muli %scan3A_28, %mul3A_31 : i32
      %swap3A = arith.index_cast %mul3A_32 : i32 to index
      %swap3A_33 = tpu.vector_load %arg5[%swap3A] {strides = array<i32>} : memref<80xf32, #tpu.memory_space<vmem>>, vector<16xf32>,
      %swap3A_34 = vector.shape_cast %swap3A_33 : vector<16xf32> to vector<16xf32>
      %swap3A_35 = vector.shape_cast %broadcast_in_dim3A_30 : vector<16xf32> to vector<16xf32>
      tpu.vector_store %arg5[%swap3A], %swap3A_35 {strides = array<i32>} : memref<80xf32, #tpu.memory_space<vmem>>, vector<16xf32>,
      %scan3A_36 = arith.constant 0 : i32
      scf.yield %scan3A_36 : i32
    }
    %scan3A_6 = arith.constant 5 : i32
    %scan3A_7 = arith.constant 0 : i32
    %scan3A_8 = arith.constant 0 : i32
    %scan3A_9 = arith.constant 40 : i32
    %scan3A_10 = arith.addi %scan3A_8, %scan3A_9 : i32
    %scan3A_11 = arith.constant 1 : i32
    %scan3A_12 = scf.for %scan3A_28 = %scan3A_8 to %scan3A_10 step %scan3A_11 iter_args(%scan3A_29 = %scan3A_7) -> (i32)  : i32 {
      %broadcast_in_dim3A = arith.constant 0.000000e+00 : f32
      %broadcast_in_dim3A_30 = vector.broadcast %broadcast_in_dim3A : f32 to vector<16xf32>
      %mul3A_31 = arith.constant 16 : i32
      %mul3A_32 = arith.muli %scan3A_28, %mul3A_31 : i32
      %swap3A = arith.index_cast %mul3A_32 : i32 to index
      %swap3A_33 = tpu.vector_load %arg6[%swap3A] {strides = array<i32>} : memref<640xf32, #tpu.memory_space<vmem>>, vector<16xf32>,
      %swap3A_34 = vector.shape_cast %swap3A_33 : vector<16xf32> to vector<16xf32>
      %swap3A_35 = vector.shape_cast %broadcast_in_dim3A_30 : vector<16xf32> to vector<16xf32>
      tpu.vector_store %arg6[%swap3A], %swap3A_35 {strides = array<i32>} : memref<640xf32, #tpu.memory_space<vmem>>, vector<16xf32>,
      %scan3A_36 = arith.constant 0 : i32
      scf.yield %scan3A_36 : i32
    }
    %scan3A_13 = arith.constant 40 : i32
    %mul3A_14 = arith.constant 640 : i32
    %mul3A_15 = arith.muli %arg1, %mul3A_14 : i32
    "tpu.region"() ({
      %run_scoped3A = tpu.sem_alloc : memref<!tpu.dma_semaphore, #tpu.memory_space<semaphore_mem>>
      %dma_start3A = tpu.memref_slice %arg7[%mul3A_15] : memref<10240xf32, #tpu.memory_space<vmem_shared>> -> memref<640xf32, #tpu.memory_space<vmem_shared>>
      %dma_start3A_28 = tpu.memref_slice %arg7[%mul3A_15] : memref<10240xf32, #tpu.memory_space<vmem_shared>> -> memref<640xf32, #tpu.memory_space<vmem_shared>>
      tpu.enqueue_dma source(%arg6 : memref<640xf32, #tpu.memory_space<vmem>>) target(%dma_start3A_28 : memref<640xf32, #tpu.memory_space<vmem_shared>>) target_semaphore(%run_scoped3A : memref<!tpu.dma_semaphore, #tpu.memory_space<semaphore_mem>>)
      %dma_wait3A = tpu.memref_slice %arg7[%mul3A_15] : memref<10240xf32, #tpu.memory_space<vmem_shared>> -> memref<640xf32, #tpu.memory_space<vmem_shared>>
      %dma_wait3A_29 = tpu.memref_slice %arg7[%mul3A_15] : memref<10240xf32, #tpu.memory_space<vmem_shared>> -> memref<640xf32, #tpu.memory_space<vmem_shared>>
      tpu.wait_dma2 semaphore(%run_scoped3A : memref<!tpu.dma_semaphore, #tpu.memory_space<semaphore_mem>>) src(%arg6 : memref<640xf32, #tpu.memory_space<vmem>>) dst(%dma_wait3A_29 : memref<640xf32, #tpu.memory_space<vmem_shared>>)
      tpu.yield
    }) : () -> ()
    %barrier3A = arith.constant 0 : index
    tpu.barrier barrier_id(%barrier3A)
    %scan3A_16 = arith.constant 0 : i32
    %scan3A_17 = arith.constant 0 : i32
    %scan3A_18 = arith.constant 125 : i32
    %scan3A_19 = arith.addi %scan3A_17, %scan3A_18 : i32
    %scan3A_20 = arith.constant 1 : i32
    %scan3A_21 = scf.for %scan3A_28 = %scan3A_17 to %scan3A_19 step %scan3A_20 iter_args(%scan3A_29 = %scan3A_16) -> (i32)  : i32 {
      "tpu.region"() ({
        %run_scoped3A = tpu.sem_alloc : memref<!tpu.dma_semaphore, #tpu.memory_space<semaphore_mem>>
        %dma_start3A = arith.constant 0 : i32
        %dma_start3A_31 = tpu.memref_slice %arg2[%add3A, %scan3A_28, %dma_start3A] : memref<32x125x80xi32, #tpu.memory_space<hbm>> -> memref<1x1x80xi32, #tpu.memory_space<hbm>>
        %dma_start3A_32 = tpu.memref_squeeze %dma_start3A_31 : memref<1x1x80xi32, #tpu.memory_space<hbm>> -> memref<80xi32, #tpu.memory_space<hbm>>
        %dma_start3A_33 = arith.constant 0 : i32
        %dma_start3A_34 = tpu.memref_slice %arg2[%add3A, %scan3A_28, %dma_start3A_33] : memref<32x125x80xi32, #tpu.memory_space<hbm>> -> memref<1x1x80xi32, #tpu.memory_space<hbm>>
        %dma_start3A_35 = tpu.memref_squeeze %dma_start3A_34 : memref<1x1x80xi32, #tpu.memory_space<hbm>> -> memref<80xi32, #tpu.memory_space<hbm>>
        tpu.enqueue_dma source(%dma_start3A_35 : memref<80xi32, #tpu.memory_space<hbm>>) target(%arg4 : memref<80xi32, #tpu.memory_space<vmem>>) target_semaphore(%run_scoped3A : memref<!tpu.dma_semaphore, #tpu.memory_space<semaphore_mem>>)
        %dma_wait3A = arith.constant 0 : i32
        %dma_wait3A_36 = tpu.memref_slice %arg2[%add3A, %scan3A_28, %dma_wait3A] : memref<32x125x80xi32, #tpu.memory_space<hbm>> -> memref<1x1x80xi32, #tpu.memory_space<hbm>>
        %dma_wait3A_37 = tpu.memref_squeeze %dma_wait3A_36 : memref<1x1x80xi32, #tpu.memory_space<hbm>> -> memref<80xi32, #tpu.memory_space<hbm>>
        %dma_wait3A_38 = arith.constant 0 : i32
        %dma_wait3A_39 = tpu.memref_slice %arg2[%add3A, %scan3A_28, %dma_wait3A_38] : memref<32x125x80xi32, #tpu.memory_space<hbm>> -> memref<1x1x80xi32, #tpu.memory_space<hbm>>
        %dma_wait3A_40 = tpu.memref_squeeze %dma_wait3A_39 : memref<1x1x80xi32, #tpu.memory_space<hbm>> -> memref<80xi32, #tpu.memory_space<hbm>>
        tpu.wait_dma2 semaphore(%run_scoped3A : memref<!tpu.dma_semaphore, #tpu.memory_space<semaphore_mem>>) src(%dma_wait3A_40 : memref<80xi32, #tpu.memory_space<hbm>>) dst(%arg4 : memref<80xi32, #tpu.memory_space<vmem>>)
        tpu.yield
      }) : () -> ()
      "tpu.region"() ({
        %run_scoped3A = tpu.sem_alloc : memref<!tpu.dma_semaphore, #tpu.memory_space<semaphore_mem>>
        %dma_start3A = arith.constant 0 : i32
        %dma_start3A_31 = tpu.memref_slice %arg7[%dma_start3A] : memref<10240xf32, #tpu.memory_space<vmem_shared>> -> memref<10240xf32, #tpu.memory_space<vmem_shared>>
        tpu.enqueue_indirect_dma source(%arg5 : memref<80xf32, #tpu.memory_space<vmem>>) target(%dma_start3A_31 : memref<10240xf32, #tpu.memory_space<vmem_shared>>) offsets(%arg4 : memref<80xi32, #tpu.memory_space<vmem>>) semaphore(%run_scoped3A : memref<!tpu.dma_semaphore, #tpu.memory_space<semaphore_mem>>) {add = true}
        %dma_wait3A = arith.constant 0 : i32
        %dma_wait3A_32 = tpu.memref_slice %arg7[%dma_wait3A] : memref<10240xf32, #tpu.memory_space<vmem_shared>> -> memref<10240xf32, #tpu.memory_space<vmem_shared>>
        tpu.wait_indirect_dma semaphore(%run_scoped3A : memref<!tpu.dma_semaphore, #tpu.memory_space<semaphore_mem>>) src(%arg5 : memref<80xf32, #tpu.memory_space<vmem>>) dst(%dma_wait3A_32 : memref<10240xf32, #tpu.memory_space<vmem_shared>>)
        tpu.yield
      }) : () -> ()
      %scan3A_30 = arith.constant 0 : i32
      scf.yield %scan3A_30 : i32
    }
    %scan3A_22 = arith.constant 125 : i32
    %barrier3A_23 = arith.constant 0 : index
    tpu.barrier barrier_id(%barrier3A_23)
    %mul3A_24 = arith.constant 640 : i32
    %mul3A_25 = arith.muli %arg1, %mul3A_24 : i32
    %mul3A_26 = arith.constant 640 : i32
    %mul3A_27 = arith.muli %arg1, %mul3A_26 : i32
    "tpu.region"() ({
      %run_scoped3A = tpu.sem_alloc : memref<!tpu.dma_semaphore, #tpu.memory_space<semaphore_mem>>
      %dma_start3A = tpu.memref_slice %arg3[%arg0, %mul3A_27] : memref<2x10240xf32, #tpu.memory_space<hbm>> -> memref<1x640xf32, #tpu.memory_space<hbm>>
      %dma_start3A_28 = tpu.memref_squeeze %dma_start3A : memref<1x640xf32, #tpu.memory_space<hbm>> -> memref<640xf32, #tpu.memory_space<hbm>>
      %dma_start3A_29 = tpu.memref_slice %arg7[%mul3A_25] : memref<10240xf32, #tpu.memory_space<vmem_shared>> -> memref<640xf32, #tpu.memory_space<vmem_shared>>
      tpu.enqueue_dma source(%dma_start3A_29 : memref<640xf32, #tpu.memory_space<vmem_shared>>) target(%dma_start3A_28 : memref<640xf32, #tpu.memory_space<hbm>>) target_semaphore(%run_scoped3A : memref<!tpu.dma_semaphore, #tpu.memory_space<semaphore_mem>>)
      %dma_wait3A = tpu.memref_slice %arg3[%arg0, %mul3A_27] : memref<2x10240xf32, #tpu.memory_space<hbm>> -> memref<1x640xf32, #tpu.memory_space<hbm>>
      %dma_wait3A_30 = tpu.memref_squeeze %dma_wait3A : memref<1x640xf32, #tpu.memory_space<hbm>> -> memref<640xf32, #tpu.memory_space<hbm>>
      %dma_wait3A_31 = tpu.memref_slice %arg7[%mul3A_25] : memref<10240xf32, #tpu.memory_space<vmem_shared>> -> memref<640xf32, #tpu.memory_space<vmem_shared>>
      tpu.wait_dma2 semaphore(%run_scoped3A : memref<!tpu.dma_semaphore, #tpu.memory_space<semaphore_mem>>) src(%dma_wait3A_31 : memref<640xf32, #tpu.memory_space<vmem_shared>>) dst(%dma_wait3A_30 : memref<640xf32, #tpu.memory_space<hbm>>)
      tpu.yield
    }) : () -> ()
    return
  }
}

#map = affine_map<(d0, d1) -> (0, 0)>
#map1 = affine_map<(d0, d1) -> (0, 0, 0)>
module attributes {stable_mosaic.version = 14 : i64} {
  func.func @prop(%arg0: i32, %arg1: i32, %arg2: memref<10000x48xf32, #tpu.memory_space<hbm>>, %arg3: memref<32x125x80xi32, #tpu.memory_space<hbm>>, %arg4: memref<32x125x80xi32, #tpu.memory_space<hbm>>, %arg5: memref<2x10240x48xf32, #tpu.memory_space<hbm>>, %arg6: memref<80xi32, #tpu.memory_space<vmem>>, %arg7: memref<80xi32, #tpu.memory_space<vmem>>, %arg8: memref<80x48xf32, #tpu.memory_space<vmem>>, %arg9: memref<64x48xf32, #tpu.memory_space<vmem>>, %arg10: memref<10240x48xf32, #tpu.memory_space<vmem_shared>>, %arg11: memref<!tpu.dma_semaphore, #tpu.memory_space<semaphore_mem>>) attributes {dimension_semantics = [#tpu.dimension_semantics<core_parallel>, #tpu.dimension_semantics<subcore_parallel>], iteration_bounds = array<i64: 2, 16>, scalar_prefetch = 0 : i64, scratch_operands = 6 : i64, tpu.core_type = #tpu.core_type<sc_vector_subcore>, window_params = [{transform_indices = #map}, {transform_indices = #map1}, {transform_indices = #map1}, {transform_indices = #map1}]} {
    %mul3A = arith.constant 2 : i32
    %mul3A_0 = arith.muli %arg1, %mul3A : i32
    %add3A = arith.addi %mul3A_0, %arg0 : i32
    %scan3A = arith.constant 0 : i32
    %scan3A_1 = arith.constant 0 : i32
    %scan3A_2 = arith.constant 192 : i32
    %scan3A_3 = arith.addi %scan3A_1, %scan3A_2 : i32
    %scan3A_4 = arith.constant 1 : i32
    %scan3A_5 = scf.for %scan3A_26 = %scan3A_1 to %scan3A_3 step %scan3A_4 iter_args(%scan3A_27 = %scan3A) -> (i32)  : i32 {
      %jit3A = arith.constant 3 : i32
      %div3A = arith.divsi %scan3A_26, %jit3A : i32
      %sign3A = arith.constant 0 : i32
      %sign3A_28 = arith.cmpi sgt, %scan3A_26, %sign3A : i32
      %sign3A_29 = arith.extui %sign3A_28 : i1 to i32
      %sign3A_30 = arith.constant 0 : i32
      %sign3A_31 = arith.cmpi slt, %scan3A_26, %sign3A_30 : i32
      %sign3A_32 = arith.extui %sign3A_31 : i1 to i32
      %sign3A_33 = arith.subi %sign3A_29, %sign3A_32 : i32
      %sign3A_34 = arith.constant 0 : i32
      %sign3A_35 = arith.cmpi sgt, %jit3A, %sign3A_34 : i32
      %sign3A_36 = arith.extui %sign3A_35 : i1 to i32
      %sign3A_37 = arith.constant 0 : i32
      %sign3A_38 = arith.cmpi slt, %jit3A, %sign3A_37 : i32
      %sign3A_39 = arith.extui %sign3A_38 : i1 to i32
      %sign3A_40 = arith.subi %sign3A_36, %sign3A_39 : i32
      %ne3A = arith.cmpi ne, %sign3A_33, %sign3A_40 : i32
      %rem3A = arith.remsi %scan3A_26, %jit3A : i32
      %ne3A_41 = arith.constant 0 : i32
      %ne3A_42 = arith.cmpi ne, %rem3A, %ne3A_41 : i32
      %and3A = arith.andi %ne3A, %ne3A_42 : i1
      %sub3A = arith.constant 1 : i32
      %sub3A_43 = arith.subi %div3A, %sub3A : i32
      %select_n3A = arith.select %and3A, %sub3A_43, %div3A : i32
      %jit3A_44 = arith.constant 3 : i32
      %eq3A = arith.constant 0 : i32
      %eq3A_45 = arith.cmpi eq, %jit3A_44, %eq3A : i32
      %jit3A_46 = arith.constant 1 : i32
      %select_n3A_47 = arith.select %eq3A_45, %jit3A_46, %jit3A_44 : i32
      %rem3A_48 = arith.remsi %scan3A_26, %select_n3A_47 : i32
      %ne3A_49 = arith.constant 0 : i32
      %ne3A_50 = arith.cmpi ne, %rem3A_48, %ne3A_49 : i32
      %lt3A = arith.constant 0 : i32
      %lt3A_51 = arith.cmpi slt, %rem3A_48, %lt3A : i32
      %lt3A_52 = arith.constant 0 : i32
      %lt3A_53 = arith.cmpi slt, %select_n3A_47, %lt3A_52 : i32
      %ne3A_54 = arith.xori %lt3A_51, %lt3A_53 : i1
      %and3A_55 = arith.andi %ne3A_54, %ne3A_50 : i1
      %add3A_56 = arith.addi %rem3A_48, %select_n3A_47 : i32
      %select_n3A_57 = arith.select %and3A_55, %add3A_56, %rem3A_48 : i32
      %broadcast_in_dim3A = arith.constant 0.000000e+00 : f32
      %broadcast_in_dim3A_58 = vector.broadcast %broadcast_in_dim3A : f32 to vector<16xf32>
      %mul3A_59 = arith.constant 16 : i32
      %mul3A_60 = arith.muli %select_n3A_57, %mul3A_59 : i32
      %swap3A = arith.index_cast %select_n3A : i32 to index
      %swap3A_61 = arith.index_cast %mul3A_60 : i32 to index
      %swap3A_62 = tpu.vector_load %arg9[%swap3A, %swap3A_61] {strides = array<i32>} : memref<64x48xf32, #tpu.memory_space<vmem>>, vector<1x16xf32>,
      %swap3A_63 = vector.shape_cast %swap3A_62 : vector<1x16xf32> to vector<16xf32>
      %swap3A_64 = vector.shape_cast %broadcast_in_dim3A_58 : vector<16xf32> to vector<1x16xf32>
      tpu.vector_store %arg9[%swap3A, %swap3A_61], %swap3A_64 {strides = array<i32>} : memref<64x48xf32, #tpu.memory_space<vmem>>, vector<1x16xf32>,
      %scan3A_65 = arith.constant 0 : i32
      scf.yield %scan3A_65 : i32
    }
    %scan3A_6 = arith.constant 192 : i32
    %scan3A_7 = arith.constant 0 : i32
    %scan3A_8 = arith.constant 0 : i32
    %scan3A_9 = arith.constant 10 : i32
    %scan3A_10 = arith.addi %scan3A_8, %scan3A_9 : i32
    %scan3A_11 = arith.constant 1 : i32
    %scan3A_12 = scf.for %scan3A_26 = %scan3A_8 to %scan3A_10 step %scan3A_11 iter_args(%scan3A_27 = %scan3A_7) -> (i32)  : i32 {
      %mul3A_28 = arith.constant 640 : i32
      %mul3A_29 = arith.muli %arg1, %mul3A_28 : i32
      %mul3A_30 = arith.constant 64 : i32
      %mul3A_31 = arith.muli %scan3A_26, %mul3A_30 : i32
      %add3A_32 = arith.addi %mul3A_29, %mul3A_31 : i32
      "tpu.region"() ({
        %run_scoped3A = tpu.sem_alloc : memref<!tpu.dma_semaphore, #tpu.memory_space<semaphore_mem>>
        %dma_start3A = arith.constant 0 : i32
        %dma_start3A_34 = tpu.memref_slice %arg10[%add3A_32, %dma_start3A] : memref<10240x48xf32, #tpu.memory_space<vmem_shared>> -> memref<64x48xf32, #tpu.memory_space<vmem_shared>>
        %dma_start3A_35 = arith.constant 0 : i32
        %dma_start3A_36 = tpu.memref_slice %arg10[%add3A_32, %dma_start3A_35] : memref<10240x48xf32, #tpu.memory_space<vmem_shared>> -> memref<64x48xf32, #tpu.memory_space<vmem_shared>>
        tpu.enqueue_dma source(%arg9 : memref<64x48xf32, #tpu.memory_space<vmem>>) target(%dma_start3A_36 : memref<64x48xf32, #tpu.memory_space<vmem_shared>>) target_semaphore(%run_scoped3A : memref<!tpu.dma_semaphore, #tpu.memory_space<semaphore_mem>>)
        %dma_wait3A = arith.constant 0 : i32
        %dma_wait3A_37 = tpu.memref_slice %arg10[%add3A_32, %dma_wait3A] : memref<10240x48xf32, #tpu.memory_space<vmem_shared>> -> memref<64x48xf32, #tpu.memory_space<vmem_shared>>
        %dma_wait3A_38 = arith.constant 0 : i32
        %dma_wait3A_39 = tpu.memref_slice %arg10[%add3A_32, %dma_wait3A_38] : memref<10240x48xf32, #tpu.memory_space<vmem_shared>> -> memref<64x48xf32, #tpu.memory_space<vmem_shared>>
        tpu.wait_dma2 semaphore(%run_scoped3A : memref<!tpu.dma_semaphore, #tpu.memory_space<semaphore_mem>>) src(%arg9 : memref<64x48xf32, #tpu.memory_space<vmem>>) dst(%dma_wait3A_39 : memref<64x48xf32, #tpu.memory_space<vmem_shared>>)
        tpu.yield
      }) : () -> ()
      %scan3A_33 = arith.constant 0 : i32
      scf.yield %scan3A_33 : i32
    }
    %scan3A_13 = arith.constant 10 : i32
    %barrier3A = arith.constant 0 : index
    tpu.barrier barrier_id(%barrier3A)
    %scan3A_14 = arith.constant 0 : i32
    %scan3A_15 = arith.constant 0 : i32
    %scan3A_16 = arith.constant 125 : i32
    %scan3A_17 = arith.addi %scan3A_15, %scan3A_16 : i32
    %scan3A_18 = arith.constant 1 : i32
    %scan3A_19 = scf.for %scan3A_26 = %scan3A_15 to %scan3A_17 step %scan3A_18 iter_args(%scan3A_27 = %scan3A_14) -> (i32)  : i32 {
      "tpu.region"() ({
        %run_scoped3A = tpu.sem_alloc : memref<!tpu.dma_semaphore, #tpu.memory_space<semaphore_mem>>
        %dma_start3A_33 = arith.constant 0 : i32
        %dma_start3A_34 = tpu.memref_slice %arg3[%add3A, %scan3A_26, %dma_start3A_33] : memref<32x125x80xi32, #tpu.memory_space<hbm>> -> memref<1x1x80xi32, #tpu.memory_space<hbm>>
        %dma_start3A_35 = tpu.memref_squeeze %dma_start3A_34 : memref<1x1x80xi32, #tpu.memory_space<hbm>> -> memref<80xi32, #tpu.memory_space<hbm>>
        %dma_start3A_36 = arith.constant 0 : i32
        %dma_start3A_37 = tpu.memref_slice %arg3[%add3A, %scan3A_26, %dma_start3A_36] : memref<32x125x80xi32, #tpu.memory_space<hbm>> -> memref<1x1x80xi32, #tpu.memory_space<hbm>>
        %dma_start3A_38 = tpu.memref_squeeze %dma_start3A_37 : memref<1x1x80xi32, #tpu.memory_space<hbm>> -> memref<80xi32, #tpu.memory_space<hbm>>
        tpu.enqueue_dma source(%dma_start3A_38 : memref<80xi32, #tpu.memory_space<hbm>>) target(%arg6 : memref<80xi32, #tpu.memory_space<vmem>>) target_semaphore(%run_scoped3A : memref<!tpu.dma_semaphore, #tpu.memory_space<semaphore_mem>>)
        %dma_wait3A_39 = arith.constant 0 : i32
        %dma_wait3A_40 = tpu.memref_slice %arg3[%add3A, %scan3A_26, %dma_wait3A_39] : memref<32x125x80xi32, #tpu.memory_space<hbm>> -> memref<1x1x80xi32, #tpu.memory_space<hbm>>
        %dma_wait3A_41 = tpu.memref_squeeze %dma_wait3A_40 : memref<1x1x80xi32, #tpu.memory_space<hbm>> -> memref<80xi32, #tpu.memory_space<hbm>>
        %dma_wait3A_42 = arith.constant 0 : i32
        %dma_wait3A_43 = tpu.memref_slice %arg3[%add3A, %scan3A_26, %dma_wait3A_42] : memref<32x125x80xi32, #tpu.memory_space<hbm>> -> memref<1x1x80xi32, #tpu.memory_space<hbm>>
        %dma_wait3A_44 = tpu.memref_squeeze %dma_wait3A_43 : memref<1x1x80xi32, #tpu.memory_space<hbm>> -> memref<80xi32, #tpu.memory_space<hbm>>
        tpu.wait_dma2 semaphore(%run_scoped3A : memref<!tpu.dma_semaphore, #tpu.memory_space<semaphore_mem>>) src(%dma_wait3A_44 : memref<80xi32, #tpu.memory_space<hbm>>) dst(%arg6 : memref<80xi32, #tpu.memory_space<vmem>>)
        tpu.yield
      }) : () -> ()
      "tpu.region"() ({
        %run_scoped3A = tpu.sem_alloc : memref<!tpu.dma_semaphore, #tpu.memory_space<semaphore_mem>>
        %dma_start3A_33 = arith.constant 0 : i32
        %dma_start3A_34 = tpu.memref_slice %arg4[%add3A, %scan3A_26, %dma_start3A_33] : memref<32x125x80xi32, #tpu.memory_space<hbm>> -> memref<1x1x80xi32, #tpu.memory_space<hbm>>
        %dma_start3A_35 = tpu.memref_squeeze %dma_start3A_34 : memref<1x1x80xi32, #tpu.memory_space<hbm>> -> memref<80xi32, #tpu.memory_space<hbm>>
        %dma_start3A_36 = arith.constant 0 : i32
        %dma_start3A_37 = tpu.memref_slice %arg4[%add3A, %scan3A_26, %dma_start3A_36] : memref<32x125x80xi32, #tpu.memory_space<hbm>> -> memref<1x1x80xi32, #tpu.memory_space<hbm>>
        %dma_start3A_38 = tpu.memref_squeeze %dma_start3A_37 : memref<1x1x80xi32, #tpu.memory_space<hbm>> -> memref<80xi32, #tpu.memory_space<hbm>>
        tpu.enqueue_dma source(%dma_start3A_38 : memref<80xi32, #tpu.memory_space<hbm>>) target(%arg7 : memref<80xi32, #tpu.memory_space<vmem>>) target_semaphore(%run_scoped3A : memref<!tpu.dma_semaphore, #tpu.memory_space<semaphore_mem>>)
        %dma_wait3A_39 = arith.constant 0 : i32
        %dma_wait3A_40 = tpu.memref_slice %arg4[%add3A, %scan3A_26, %dma_wait3A_39] : memref<32x125x80xi32, #tpu.memory_space<hbm>> -> memref<1x1x80xi32, #tpu.memory_space<hbm>>
        %dma_wait3A_41 = tpu.memref_squeeze %dma_wait3A_40 : memref<1x1x80xi32, #tpu.memory_space<hbm>> -> memref<80xi32, #tpu.memory_space<hbm>>
        %dma_wait3A_42 = arith.constant 0 : i32
        %dma_wait3A_43 = tpu.memref_slice %arg4[%add3A, %scan3A_26, %dma_wait3A_42] : memref<32x125x80xi32, #tpu.memory_space<hbm>> -> memref<1x1x80xi32, #tpu.memory_space<hbm>>
        %dma_wait3A_44 = tpu.memref_squeeze %dma_wait3A_43 : memref<1x1x80xi32, #tpu.memory_space<hbm>> -> memref<80xi32, #tpu.memory_space<hbm>>
        tpu.wait_dma2 semaphore(%run_scoped3A : memref<!tpu.dma_semaphore, #tpu.memory_space<semaphore_mem>>) src(%dma_wait3A_44 : memref<80xi32, #tpu.memory_space<hbm>>) dst(%arg7 : memref<80xi32, #tpu.memory_space<vmem>>)
        tpu.yield
      }) : () -> ()
      %dma_start3A = arith.constant 0 : i32
      %dma_start3A_28 = arith.constant 0 : i32
      %dma_start3A_29 = tpu.memref_slice %arg2[%dma_start3A, %dma_start3A_28] : memref<10000x48xf32, #tpu.memory_space<hbm>> -> memref<10000x48xf32, #tpu.memory_space<hbm>>
      tpu.enqueue_indirect_dma source(%dma_start3A_29 : memref<10000x48xf32, #tpu.memory_space<hbm>>) target(%arg8 : memref<80x48xf32, #tpu.memory_space<vmem>>) offsets(%arg6 : memref<80xi32, #tpu.memory_space<vmem>>) semaphore(%arg11 : memref<!tpu.dma_semaphore, #tpu.memory_space<semaphore_mem>>)
      %dma_wait3A = arith.constant 0 : i32
      %dma_wait3A_30 = arith.constant 0 : i32
      %dma_wait3A_31 = tpu.memref_slice %arg2[%dma_wait3A, %dma_wait3A_30] : memref<10000x48xf32, #tpu.memory_space<hbm>> -> memref<10000x48xf32, #tpu.memory_space<hbm>>
      tpu.wait_indirect_dma semaphore(%arg11 : memref<!tpu.dma_semaphore, #tpu.memory_space<semaphore_mem>>) src(%dma_wait3A_31 : memref<10000x48xf32, #tpu.memory_space<hbm>>) dst(%arg8 : memref<80x48xf32, #tpu.memory_space<vmem>>)
      "tpu.region"() ({
        %run_scoped3A = tpu.sem_alloc : memref<!tpu.dma_semaphore, #tpu.memory_space<semaphore_mem>>
        %dma_start3A_33 = arith.constant 0 : i32
        %dma_start3A_34 = arith.constant 0 : i32
        %dma_start3A_35 = tpu.memref_slice %arg10[%dma_start3A_33, %dma_start3A_34] : memref<10240x48xf32, #tpu.memory_space<vmem_shared>> -> memref<10240x48xf32, #tpu.memory_space<vmem_shared>>
        tpu.enqueue_indirect_dma source(%arg8 : memref<80x48xf32, #tpu.memory_space<vmem>>) target(%dma_start3A_35 : memref<10240x48xf32, #tpu.memory_space<vmem_shared>>) offsets(%arg7 : memref<80xi32, #tpu.memory_space<vmem>>) semaphore(%run_scoped3A : memref<!tpu.dma_semaphore, #tpu.memory_space<semaphore_mem>>) {add = true}
        %dma_wait3A_36 = arith.constant 0 : i32
        %dma_wait3A_37 = arith.constant 0 : i32
        %dma_wait3A_38 = tpu.memref_slice %arg10[%dma_wait3A_36, %dma_wait3A_37] : memref<10240x48xf32, #tpu.memory_space<vmem_shared>> -> memref<10240x48xf32, #tpu.memory_space<vmem_shared>>
        tpu.wait_indirect_dma semaphore(%run_scoped3A : memref<!tpu.dma_semaphore, #tpu.memory_space<semaphore_mem>>) src(%arg8 : memref<80x48xf32, #tpu.memory_space<vmem>>) dst(%dma_wait3A_38 : memref<10240x48xf32, #tpu.memory_space<vmem_shared>>)
        tpu.yield
      }) : () -> ()
      %scan3A_32 = arith.constant 0 : i32
      scf.yield %scan3A_32 : i32
    }
    %scan3A_20 = arith.constant 125 : i32
    %barrier3A_21 = arith.constant 0 : index
    tpu.barrier barrier_id(%barrier3A_21)
    %mul3A_22 = arith.constant 640 : i32
    %mul3A_23 = arith.muli %arg1, %mul3A_22 : i32
    %mul3A_24 = arith.constant 640 : i32
    %mul3A_25 = arith.muli %arg1, %mul3A_24 : i32
    "tpu.region"() ({
      %run_scoped3A = tpu.sem_alloc : memref<!tpu.dma_semaphore, #tpu.memory_space<semaphore_mem>>
      %dma_start3A = arith.constant 0 : i32
      %dma_start3A_26 = tpu.memref_slice %arg5[%arg0, %mul3A_25, %dma_start3A] : memref<2x10240x48xf32, #tpu.memory_space<hbm>> -> memref<1x640x48xf32, #tpu.memory_space<hbm>>
      %dma_start3A_27 = tpu.memref_squeeze %dma_start3A_26 : memref<1x640x48xf32, #tpu.memory_space<hbm>> -> memref<640x48xf32, #tpu.memory_space<hbm>>
      %dma_start3A_28 = arith.constant 0 : i32
      %dma_start3A_29 = tpu.memref_slice %arg10[%mul3A_23, %dma_start3A_28] : memref<10240x48xf32, #tpu.memory_space<vmem_shared>> -> memref<640x48xf32, #tpu.memory_space<vmem_shared>>
      tpu.enqueue_dma source(%dma_start3A_29 : memref<640x48xf32, #tpu.memory_space<vmem_shared>>) target(%dma_start3A_27 : memref<640x48xf32, #tpu.memory_space<hbm>>) target_semaphore(%run_scoped3A : memref<!tpu.dma_semaphore, #tpu.memory_space<semaphore_mem>>)
      %dma_wait3A = arith.constant 0 : i32
      %dma_wait3A_30 = tpu.memref_slice %arg5[%arg0, %mul3A_25, %dma_wait3A] : memref<2x10240x48xf32, #tpu.memory_space<hbm>> -> memref<1x640x48xf32, #tpu.memory_space<hbm>>
      %dma_wait3A_31 = tpu.memref_squeeze %dma_wait3A_30 : memref<1x640x48xf32, #tpu.memory_space<hbm>> -> memref<640x48xf32, #tpu.memory_space<hbm>>
      %dma_wait3A_32 = arith.constant 0 : i32
      %dma_wait3A_33 = tpu.memref_slice %arg10[%mul3A_23, %dma_wait3A_32] : memref<10240x48xf32, #tpu.memory_space<vmem_shared>> -> memref<640x48xf32, #tpu.memory_space<vmem_shared>>
      tpu.wait_dma2 semaphore(%run_scoped3A : memref<!tpu.dma_semaphore, #tpu.memory_space<semaphore_mem>>) src(%dma_wait3A_33 : memref<640x48xf32, #tpu.memory_space<vmem_shared>>) dst(%dma_wait3A_31 : memref<640x48xf32, #tpu.memory_space<hbm>>)
      tpu.yield
    }) : () -> ()
    return
  }
}

module attributes {stable_mosaic.version = 14 : i64} {
  func.func @_tc1_body(%arg0: i32, %arg1: memref<2x1000x1xf32, #tpu.memory_space<vmem>>, %arg2: memref<1000x128xf32, #tpu.memory_space<vmem>>, %arg3: memref<128x128xf32, #tpu.memory_space<vmem>>, %arg4: memref<1000x128xf32, #tpu.memory_space<vmem>>, %arg5: memref<1000x1xf32, #tpu.memory_space<vmem>>) attributes {dimension_semantics = [#tpu.dimension_semantics<arbitrary>], iteration_bounds = array<i64: 10>, scalar_prefetch = 0 : i64, scratch_operands = 0 : i64, tpu.core_type = #tpu.core_type<tc>, window_params = [{transform_indices = @transform_0, window_bounds = array<i64: 2, 1000, 1>}, {transform_indices = @transform_1, window_bounds = array<i64: 1000, 128>}, {pipeline_mode = #tpu.pipeline_mode<synchronous>, transform_indices = @transform_2, window_bounds = array<i64: 128, 128>}, {transform_indices = @transform_3, window_bounds = array<i64: 1000, 128>}, {transform_indices = @transform_4, window_bounds = array<i64: 1000, 1>}]} {
    %get3A = arith.constant 0 : index
    %get3A_0 = arith.constant 0 : index
    %get3A_1 = arith.constant 0 : index
    %get3A_2 = vector.load %arg1[%get3A, %get3A_0, %get3A_1] : memref<2x1000x1xf32, #tpu.memory_space<vmem>>, vector<1x1000x1xf32>
    %get3A_3 = vector.shape_cast %get3A_2 : vector<1x1000x1xf32> to vector<1000x1xf32>
    %get3A_4 = arith.constant 1 : index
    %get3A_5 = arith.constant 0 : index
    %get3A_6 = arith.constant 0 : index
    %get3A_7 = vector.load %arg1[%get3A_4, %get3A_5, %get3A_6] : memref<2x1000x1xf32, #tpu.memory_space<vmem>>, vector<1x1000x1xf32>
    %get3A_8 = vector.shape_cast %get3A_7 : vector<1x1000x1xf32> to vector<1000x1xf32>
    %add3A = arith.addf %get3A_3, %get3A_8 : vector<1000x1xf32>
    %add3A_9 = arith.constant 1.000000e+00 : f32
    %add3A_10 = vector.broadcast %add3A_9 : f32 to vector<1000x1xf32>
    %add3A_11 = arith.addf %add3A, %add3A_10 : vector<1000x1xf32>
    %rsqrt3A = math.rsqrt %add3A_11 : vector<1000x1xf32>
    %get3A_12 = arith.constant 0 : index
    %get3A_13 = arith.constant 0 : index
    %get3A_14 = vector.load %arg2[%get3A_12, %get3A_13] : memref<1000x128xf32, #tpu.memory_space<vmem>>, vector<1000x128xf32>
    %get3A_15 = arith.constant 0 : index
    %get3A_16 = arith.constant 0 : index
    %get3A_17 = vector.load %arg3[%get3A_15, %get3A_16] : memref<128x128xf32, #tpu.memory_space<vmem>>, vector<128x128xf32>
    %dot_general3A = arith.constant dense<0.000000e+00> : vector<1000x128xf32>
    %dot_general3A_18 = tpu.matmul %get3A_14, %get3A_17, %dot_general3A {dimension_numbers = #tpu.dot_dimension_numbers<[1], [0], [0], [1], [0, 0, 1, 1], [], []>, transpose_lhs_hint = false} : vector<1000x128xf32>, vector<128x128xf32>, vector<1000x128xf32> -> vector<1000x128xf32>
    %mul3A = vector.broadcast %rsqrt3A : vector<1000x1xf32> to vector<1000x128xf32>
    %mul3A_19 = arith.mulf %dot_general3A_18, %mul3A : vector<1000x128xf32>
    %swap3A = arith.constant 0 : index
    %swap3A_20 = arith.constant 0 : index
    %swap3A_21 = vector.load %arg4[%swap3A, %swap3A_20] : memref<1000x128xf32, #tpu.memory_space<vmem>>, vector<1000x128xf32>
    tpu.vector_store %arg4[%swap3A, %swap3A_20], %mul3A_19 {strides = array<i32>} : memref<1000x128xf32, #tpu.memory_space<vmem>>, vector<1000x128xf32>,
    %swap3A_22 = arith.constant 0 : index
    %swap3A_23 = arith.constant 0 : index
    %swap3A_24 = vector.load %arg5[%swap3A_22, %swap3A_23] : memref<1000x1xf32, #tpu.memory_space<vmem>>, vector<1000x1xf32>
    tpu.vector_store %arg5[%swap3A_22, %swap3A_23], %rsqrt3A {strides = array<i32>} : memref<1000x1xf32, #tpu.memory_space<vmem>>, vector<1000x1xf32>,
    return
  }
  func.func @transform_0(%arg0: i32) -> (i32, i32, i32) {
    %c0_i32 = arith.constant 0 : i32
    %c0_i32_0 = arith.constant 0 : i32
    %c0_i32_1 = arith.constant 0 : i32
    return %c0_i32, %arg0, %c0_i32_0 : i32, i32, i32
  }
  func.func @transform_1(%arg0: i32) -> (i32, i32) {
    %c0_i32 = arith.constant 0 : i32
    %c0_i32_0 = arith.constant 0 : i32
    return %arg0, %c0_i32 : i32, i32
  }
  func.func @transform_2(%arg0: i32) -> (i32, i32) {
    %c0_i32 = arith.constant 0 : i32
    %c0_i32_0 = arith.constant 0 : i32
    %c0_i32_1 = arith.constant 0 : i32
    return %c0_i32, %c0_i32_0 : i32, i32
  }
  func.func @transform_3(%arg0: i32) -> (i32, i32) {
    %c0_i32 = arith.constant 0 : i32
    %c0_i32_0 = arith.constant 0 : i32
    return %arg0, %c0_i32 : i32, i32
  }
  func.func @transform_4(%arg0: i32) -> (i32, i32) {
    %c0_i32 = arith.constant 0 : i32
    %c0_i32_0 = arith.constant 0 : i32
    return %arg0, %c0_i32 : i32, i32
  }
}

module attributes {stable_mosaic.version = 14 : i64} {
  func.func @_tc2_body(%arg0: i32, %arg1: memref<2x1000x128xf32, #tpu.memory_space<vmem>>, %arg2: memref<1000x128xf32, #tpu.memory_space<vmem>>, %arg3: memref<1000x1xf32, #tpu.memory_space<vmem>>, %arg4: memref<1x128xf32, #tpu.memory_space<vmem>>, %arg5: memref<128x48xf32, #tpu.memory_space<vmem>>, %arg6: memref<1000x48xf32, #tpu.memory_space<vmem>>) attributes {dimension_semantics = [#tpu.dimension_semantics<arbitrary>], iteration_bounds = array<i64: 10>, scalar_prefetch = 0 : i64, scratch_operands = 0 : i64, tpu.core_type = #tpu.core_type<tc>, window_params = [{transform_indices = @transform_0, window_bounds = array<i64: 2, 1000, 128>}, {transform_indices = @transform_1, window_bounds = array<i64: 1000, 128>}, {transform_indices = @transform_2, window_bounds = array<i64: 1000, 1>}, {pipeline_mode = #tpu.pipeline_mode<synchronous>, transform_indices = @transform_3, window_bounds = array<i64: 1, 128>}, {pipeline_mode = #tpu.pipeline_mode<synchronous>, transform_indices = @transform_4, window_bounds = array<i64: 128, 48>}, {transform_indices = @transform_5, window_bounds = array<i64: 1000, 48>}]} {
    %get3A = arith.constant 0 : index
    %get3A_0 = arith.constant 0 : index
    %get3A_1 = arith.constant 0 : index
    %get3A_2 = vector.load %arg1[%get3A, %get3A_0, %get3A_1] : memref<2x1000x128xf32, #tpu.memory_space<vmem>>, vector<1x1000x128xf32>
    %get3A_3 = vector.shape_cast %get3A_2 : vector<1x1000x128xf32> to vector<1000x128xf32>
    %get3A_4 = arith.constant 1 : index
    %get3A_5 = arith.constant 0 : index
    %get3A_6 = arith.constant 0 : index
    %get3A_7 = vector.load %arg1[%get3A_4, %get3A_5, %get3A_6] : memref<2x1000x128xf32, #tpu.memory_space<vmem>>, vector<1x1000x128xf32>
    %get3A_8 = vector.shape_cast %get3A_7 : vector<1x1000x128xf32> to vector<1000x128xf32>
    %add3A = arith.addf %get3A_3, %get3A_8 : vector<1000x128xf32>
    %get3A_9 = arith.constant 0 : index
    %get3A_10 = arith.constant 0 : index
    %get3A_11 = vector.load %arg2[%get3A_9, %get3A_10] : memref<1000x128xf32, #tpu.memory_space<vmem>>, vector<1000x128xf32>
    %add3A_12 = arith.addf %add3A, %get3A_11 : vector<1000x128xf32>
    %get3A_13 = arith.constant 0 : index
    %get3A_14 = arith.constant 0 : index
    %get3A_15 = vector.load %arg3[%get3A_13, %get3A_14] : memref<1000x1xf32, #tpu.memory_space<vmem>>, vector<1000x1xf32>
    %mul3A = vector.broadcast %get3A_15 : vector<1000x1xf32> to vector<1000x128xf32>
    %mul3A_16 = arith.mulf %mul3A, %add3A_12 : vector<1000x128xf32>
    %get3A_17 = arith.constant 0 : index
    %get3A_18 = arith.constant 0 : index
    %get3A_19 = vector.load %arg4[%get3A_17, %get3A_18] : memref<1x128xf32, #tpu.memory_space<vmem>>, vector<1x128xf32>
    %add3A_20 = vector.broadcast %get3A_19 : vector<1x128xf32> to vector<1000x128xf32>
    %add3A_21 = arith.addf %mul3A_16, %add3A_20 : vector<1000x128xf32>
    %max3A = arith.constant 0.000000e+00 : f32
    %max3A_22 = vector.broadcast %max3A : f32 to vector<1000x128xf32>
    %max3A_23 = arith.maximumf %add3A_21, %max3A_22 : vector<1000x128xf32>
    %get3A_24 = arith.constant 0 : index
    %get3A_25 = arith.constant 0 : index
    %get3A_26 = vector.load %arg5[%get3A_24, %get3A_25] : memref<128x48xf32, #tpu.memory_space<vmem>>, vector<128x48xf32>
    %dot_general3A = arith.constant dense<0.000000e+00> : vector<1000x48xf32>
    %dot_general3A_27 = tpu.matmul %max3A_23, %get3A_26, %dot_general3A {dimension_numbers = #tpu.dot_dimension_numbers<[1], [0], [0], [1], [0, 0, 1, 1], [], []>, transpose_lhs_hint = false} : vector<1000x128xf32>, vector<128x48xf32>, vector<1000x48xf32> -> vector<1000x48xf32>
    %get3A_28 = arith.constant 0 : index
    %get3A_29 = arith.constant 0 : index
    %get3A_30 = vector.load %arg3[%get3A_28, %get3A_29] : memref<1000x1xf32, #tpu.memory_space<vmem>>, vector<1000x1xf32>
    %mul3A_31 = vector.broadcast %get3A_30 : vector<1000x1xf32> to vector<1000x48xf32>
    %mul3A_32 = arith.mulf %dot_general3A_27, %mul3A_31 : vector<1000x48xf32>
    %swap3A = arith.constant 0 : index
    %swap3A_33 = arith.constant 0 : index
    %swap3A_34 = vector.load %arg6[%swap3A, %swap3A_33] : memref<1000x48xf32, #tpu.memory_space<vmem>>, vector<1000x48xf32>
    tpu.vector_store %arg6[%swap3A, %swap3A_33], %mul3A_32 {strides = array<i32>} : memref<1000x48xf32, #tpu.memory_space<vmem>>, vector<1000x48xf32>,
    return
  }
  func.func @transform_0(%arg0: i32) -> (i32, i32, i32) {
    %c0_i32 = arith.constant 0 : i32
    %c0_i32_0 = arith.constant 0 : i32
    %c0_i32_1 = arith.constant 0 : i32
    return %c0_i32, %arg0, %c0_i32_0 : i32, i32, i32
  }
  func.func @transform_1(%arg0: i32) -> (i32, i32) {
    %c0_i32 = arith.constant 0 : i32
    %c0_i32_0 = arith.constant 0 : i32
    return %arg0, %c0_i32 : i32, i32
  }
  func.func @transform_2(%arg0: i32) -> (i32, i32) {
    %c0_i32 = arith.constant 0 : i32
    %c0_i32_0 = arith.constant 0 : i32
    return %arg0, %c0_i32 : i32, i32
  }
  func.func @transform_3(%arg0: i32) -> (i32, i32) {
    %c0_i32 = arith.constant 0 : i32
    %c0_i32_0 = arith.constant 0 : i32
    %c0_i32_1 = arith.constant 0 : i32
    return %c0_i32, %c0_i32_0 : i32, i32
  }
  func.func @transform_4(%arg0: i32) -> (i32, i32) {
    %c0_i32 = arith.constant 0 : i32
    %c0_i32_0 = arith.constant 0 : i32
    %c0_i32_1 = arith.constant 0 : i32
    return %c0_i32, %c0_i32_0 : i32, i32
  }
  func.func @transform_5(%arg0: i32) -> (i32, i32) {
    %c0_i32 = arith.constant 0 : i32
    %c0_i32_0 = arith.constant 0 : i32
    return %arg0, %c0_i32 : i32, i32
  }
}

module attributes {stable_mosaic.version = 14 : i64} {
  func.func @_tc3_body(%arg0: i32, %arg1: memref<2x1000x48xf32, #tpu.memory_space<vmem>>, %arg2: memref<1000x48xf32, #tpu.memory_space<vmem>>, %arg3: memref<1000x1xf32, #tpu.memory_space<vmem>>, %arg4: memref<1x48xf32, #tpu.memory_space<vmem>>, %arg5: memref<1000x48xf32, #tpu.memory_space<vmem>>) attributes {dimension_semantics = [#tpu.dimension_semantics<arbitrary>], iteration_bounds = array<i64: 10>, scalar_prefetch = 0 : i64, scratch_operands = 0 : i64, tpu.core_type = #tpu.core_type<tc>, window_params = [{transform_indices = @transform_0, window_bounds = array<i64: 2, 1000, 48>}, {transform_indices = @transform_1, window_bounds = array<i64: 1000, 48>}, {transform_indices = @transform_2, window_bounds = array<i64: 1000, 1>}, {pipeline_mode = #tpu.pipeline_mode<synchronous>, transform_indices = @transform_3, window_bounds = array<i64: 1, 48>}, {transform_indices = @transform_4, window_bounds = array<i64: 1000, 48>}]} {
    %get3A = arith.constant 0 : index
    %get3A_0 = arith.constant 0 : index
    %get3A_1 = arith.constant 0 : index
    %get3A_2 = vector.load %arg1[%get3A, %get3A_0, %get3A_1] : memref<2x1000x48xf32, #tpu.memory_space<vmem>>, vector<1x1000x48xf32>
    %get3A_3 = vector.shape_cast %get3A_2 : vector<1x1000x48xf32> to vector<1000x48xf32>
    %get3A_4 = arith.constant 1 : index
    %get3A_5 = arith.constant 0 : index
    %get3A_6 = arith.constant 0 : index
    %get3A_7 = vector.load %arg1[%get3A_4, %get3A_5, %get3A_6] : memref<2x1000x48xf32, #tpu.memory_space<vmem>>, vector<1x1000x48xf32>
    %get3A_8 = vector.shape_cast %get3A_7 : vector<1x1000x48xf32> to vector<1000x48xf32>
    %add3A = arith.addf %get3A_3, %get3A_8 : vector<1000x48xf32>
    %get3A_9 = arith.constant 0 : index
    %get3A_10 = arith.constant 0 : index
    %get3A_11 = vector.load %arg2[%get3A_9, %get3A_10] : memref<1000x48xf32, #tpu.memory_space<vmem>>, vector<1000x48xf32>
    %add3A_12 = arith.addf %add3A, %get3A_11 : vector<1000x48xf32>
    %get3A_13 = arith.constant 0 : index
    %get3A_14 = arith.constant 0 : index
    %get3A_15 = vector.load %arg3[%get3A_13, %get3A_14] : memref<1000x1xf32, #tpu.memory_space<vmem>>, vector<1000x1xf32>
    %mul3A = vector.broadcast %get3A_15 : vector<1000x1xf32> to vector<1000x48xf32>
    %mul3A_16 = arith.mulf %mul3A, %add3A_12 : vector<1000x48xf32>
    %get3A_17 = arith.constant 0 : index
    %get3A_18 = arith.constant 0 : index
    %get3A_19 = vector.load %arg4[%get3A_17, %get3A_18] : memref<1x48xf32, #tpu.memory_space<vmem>>, vector<1x48xf32>
    %add3A_20 = vector.broadcast %get3A_19 : vector<1x48xf32> to vector<1000x48xf32>
    %add3A_21 = arith.addf %mul3A_16, %add3A_20 : vector<1000x48xf32>
    %swap3A = arith.constant 0 : index
    %swap3A_22 = arith.constant 0 : index
    %swap3A_23 = vector.load %arg5[%swap3A, %swap3A_22] : memref<1000x48xf32, #tpu.memory_space<vmem>>, vector<1000x48xf32>
    tpu.vector_store %arg5[%swap3A, %swap3A_22], %add3A_21 {strides = array<i32>} : memref<1000x48xf32, #tpu.memory_space<vmem>>, vector<1000x48xf32>,
    return
  }
  func.func @transform_0(%arg0: i32) -> (i32, i32, i32) {
    %c0_i32 = arith.constant 0 : i32
    %c0_i32_0 = arith.constant 0 : i32
    %c0_i32_1 = arith.constant 0 : i32
    return %c0_i32, %arg0, %c0_i32_0 : i32, i32, i32
  }
  func.func @transform_1(%arg0: i32) -> (i32, i32) {
    %c0_i32 = arith.constant 0 : i32
    %c0_i32_0 = arith.constant 0 : i32
    return %arg0, %c0_i32 : i32, i32
  }
  func.func @transform_2(%arg0: i32) -> (i32, i32) {
    %c0_i32 = arith.constant 0 : i32
    %c0_i32_0 = arith.constant 0 : i32
    return %arg0, %c0_i32 : i32, i32
  }
  func.func @transform_3(%arg0: i32) -> (i32, i32) {
    %c0_i32 = arith.constant 0 : i32
    %c0_i32_0 = arith.constant 0 : i32
    %c0_i32_1 = arith.constant 0 : i32
    return %c0_i32, %c0_i32_0 : i32, i32
  }
  func.func @transform_4(%arg0: i32) -> (i32, i32) {
    %c0_i32 = arith.constant 0 : i32
    %c0_i32_0 = arith.constant 0 : i32
    return %arg0, %c0_i32 : i32, i32
  }
}

</mosaic_0001>

<sc_bundles>
// kernel: kernel.11.cloned.1.call-start
scs
__scs_entry_jumppad:
0x0: {  	(pc) =	sbr.rel $0x88, $3  }
0x1: {  	(tag) =	ssettag $0x0;
	lr =	simm.s32 $0x1  }
0x2: {  	[smem:$0x3F9B] =	sst lr;
	_ =	strace $0xD0000000  }
0x3: {  	_ = 	snop  }
0x4: {  	_ = 	snop  }
0x5: {  	_ = 	snop  }
0x6: {  	_ = 	snop  }
0x7: {  	_ = 	snop  }
__scs_overlays_trampoline_lowered:
0x8: {  	[smem:$0x3FAA] =	sst s0  }
0x9: {  	[smem:$0x3FAB] =	sst s1  }
0xa: {  	[smem:$0x3FAC] =	sst s2  }
0xb: {  	[smem:$0x3FAD] =	sst s3  }
0xc: {  	[smem:$0x3FAE] =	sst s4  }
0xd: {  	[smem:$0x3FAF] =	sst s5  }
0xe: {  	[smem:$0x3FB0] =	sst s6  }
0xf: {  	[smem:$0x3FB1] =	sst s7  }
0x10: {  	[smem:$0x3FB2] =	sst s8  }
0x11: {  	[smem:$0x3FB3] =	sst s9;
	s0 =	simm.s32 @!p0 $0x0  }
0x12: {  	s1 =	sld [smem:$0x3F99];
	s0 =	simm.s32 @p0 $0x1  }
0x13: {  	[smem:$0x3FB4] =	sst s0;
	s0 =	simm.s32 @!p1 $0x0  }
0x14: {  	s2 =	sld [smem:$0x3F98];
	s0 =	simm.s32 @p1 $0x1  }
0x15: {  	[smem:$0x3FB5] =	sst s0;
	s0 =	simm.s32 @!p2 $0x0  }
0x16: {  	s3 =	sld [smem:$0x3FDB];
	s0 =	simm.s32 @p2 $0x1  }
0x17: {  	s4 =	simm.s32 $0x1BF5;
	[smem:$0x3FB7] =	sst s0  }
0x18: {  	s0 =	sld [smem:$0x3F9A];
	_ =	swait.ge [sflag:s4], $0x0  }
0x19: {  	s7 =	sld [smem:$0x3F9B]  }
0x1a: {  	s8 =	sadd.s32 $0xFFFFE003, lr  }
0x1b: {  	s9 =	sadd.s32 $0xFFFFFEF7, lr;
	s5 =	simm.s32 $0xFFFFFFFF;
	p2 =	slt.u32 s8, $0xFFFFF086  }
0x1c: {  	p1 =	slt.u32 s9, $0xF7A;
	s5 =	simm.s32 @!p2 $0x0  }
0x1d: {  	s5 =	simm.s32 @p1 $0x1;
	p0 =	seq.s32 s7, s2  }
0x1e: {  	s7 =	smul.u32 @!p0 $0xF7A, s2;
	p2 =	seq.s32 @!p0 s5, $0x0  }
0x1f: {  	s9 =	smul.u32 $0xF7A, s1;
	s8 =	simm.s32 @!p0 $0x1BF5;
	p2 =	por !p2, p0  }
0x20: {  	[sflag:s8] =	ssyncset.s32 @!p0 $0xFFFFF086;
	s6 =	sadd.s32 @!p0 s3, s7;
	s7 =	simm.s32 @!p0 $0x108  }
0x21: {  	s3 =	sadd.s32 s3, s9;
	s6 =	sadd.s32 @!p0 $0x88, s6;
	s7 =	simm.s32 @p2 $0x1082  }
0x22: {  	[simem:s7], [sflag:s8] =	dma.local @!p0 [hbm:s6], $0xF7A  }
0x23: {  	s9 =	sor.u32 $0xD0000000, s2;
	s6 =	simm.s32 $0x108;
	_ =	swait.ge @!p0 [sflag:s8], $0x0  }
0x24: {  	s3 =	sadd.s32 $0x88, s3;
	s6 =	simm.s32 @!p1 $0x1082;
	[sflag:s4] =	ssyncset.s32 $0xFFFFF086  }
0x25: {  	[simem:s6], [sflag:s4] =	dma.local [hbm:s3], $0xF7A  }
0x26: {  	[smem:$0x3F9B] =	sst s1;
	(tag) =	ssettag s2;
	_ =	strace s9  }
0x27: {  	s1 =	sld [smem:$0x3FAB]  }
0x28: {  	s2 =	sld [smem:$0x3FAC]  }
0x29: {  	s4 =	sld [smem:$0x3FAE]  }
0x2a: {  	p0 =	seq.s32 s5, $0x0;
	s5 =	sld [smem:$0x3FAF]  }
0x2b: {  	s6 =	sld [smem:$0x3FB0]  }
0x2c: {  	s7 =	sld [smem:$0x3FB1]  }
0x2d: {  	s3 =	simm.s32 $0x108;
	s8 =	sld [smem:$0x3FB2]  }
0x2e: {  	s3 =	simm.s32 @!p0 $0x1082;
	s9 =	sld [smem:$0x3FB3]  }
0x2f: {  	lr =	sadd.s32 s0, s3;
	s0 =	sld [smem:$0x3FAA]  }
0x30: {  	s3 =	sld [smem:$0x3FAD]  }
0x31: {  	[smem:$0x3FB6] =	sst s10  }
0x32: {  	s10 =	sld [smem:$0x3FB4];
	_ =	sdelay $0x3  }
0x33: {  	p0 =	seq.s32 s10, $0x1;
	s10 =	sld [smem:$0x3FB6];
	_ =	sdelay $0x3  }
0x34: {  	[smem:$0x3FB6] =	sst s10  }
0x35: {  	s10 =	sld [smem:$0x3FB5];
	_ =	sdelay $0x3  }
0x36: {  	p1 =	seq.s32 s10, $0x1;
	s10 =	sld [smem:$0x3FB6];
	_ =	sdelay $0x3  }
0x37: {  	[smem:$0x3FB6] =	sst s10  }
0x38: {  	s10 =	sld [smem:$0x3FB7]  }
0x39: {  	_ = 	snop;
	(pc) =	sbr.ind lr, $3  }
0x3a: {  	_ = 	snop  }
0x3b: {  	_ = 	snop  }
0x3c: {  	p2 =	seq.s32 s10, $0x1;
	s10 =	sld [smem:$0x3FB6]  }
0x3d: {  	_ =	shalt  }
0x3e: {  	_ =	shalt  }
0x3f: {  	_ =	shalt  }
0x40: {  	_ =	shalt  }
0x41: {  	_ =	shalt  }
0x42: {  	_ =	shalt  }
0x43: {  	_ =	shalt  }
0x44: {  	_ =	shalt  }
0x45: {  	_ =	shalt  }
0x46: {  	_ =	shalt  }
0x47: {  	_ =	shalt  }
0x48: {  	_ =	shalt  }
0x49: {  	_ =	shalt  }
0x4a: {  	_ =	shalt  }
0x4b: {  	_ =	shalt  }
0x4c: {  	_ =	shalt  }
0x4d: {  	_ =	shalt  }
0x4e: {  	_ =	shalt  }
0x4f: {  	_ =	shalt  }
0x50: {  	_ =	shalt  }
0x51: {  	_ =	shalt  }
0x52: {  	_ =	shalt  }
0x53: {  	_ =	shalt  }
0x54: {  	_ =	shalt  }
0x55: {  	_ =	shalt  }
0x56: {  	_ =	shalt  }
0x57: {  	_ =	shalt  }
0x58: {  	_ =	shalt  }
0x59: {  	_ =	shalt  }
0x5a: {  	_ =	shalt  }
0x5b: {  	_ =	shalt  }
0x5c: {  	_ =	shalt  }
0x5d: {  	_ =	shalt  }
0x5e: {  	_ =	shalt  }
0x5f: {  	_ =	shalt  }
0x60: {  	_ =	shalt  }
0x61: {  	_ =	shalt  }
0x62: {  	_ =	shalt  }
0x63: {  	_ =	shalt  }
0x64: {  	_ =	shalt  }
0x65: {  	_ =	shalt  }
0x66: {  	_ =	shalt  }
0x67: {  	_ =	shalt  }
0x68: {  	_ =	shalt  }
0x69: {  	_ =	shalt  }
0x6a: {  	_ =	shalt  }
0x6b: {  	_ =	shalt  }
0x6c: {  	_ =	shalt  }
0x6d: {  	_ =	shalt  }
0x6e: {  	_ =	shalt  }
0x6f: {  	_ =	shalt  }
0x70: {  	_ =	shalt  }
0x71: {  	_ =	shalt  }
0x72: {  	_ =	shalt  }
0x73: {  	_ =	shalt  }
0x74: {  	_ =	shalt  }
0x75: {  	_ =	shalt  }
0x76: {  	_ =	shalt  }
0x77: {  	_ =	shalt  }
0x78: {  	_ =	shalt  }
0x79: {  	_ =	shalt  }
0x7a: {  	_ =	shalt  }
0x7b: {  	_ =	shalt  }
0x7c: {  	_ =	shalt  }
0x7d: {  	_ =	shalt  }
0x7e: {  	_ =	shalt  }
0x7f: {  	_ =	shalt  }
0x80: {  	_ =	shalt  }
0x81: {  	_ =	shalt  }
0x82: {  	_ =	shalt  }
0x83: {  	_ =	shalt  }
0x84: {  	_ =	shalt  }
0x85: {  	_ =	shalt  }
0x86: {  	_ =	shalt  }
0x87: {  	_ =	shalt  }
.Lfunc_end0:
.L_simem_size_0:
called_computation.1_lowered:
.L_overlay_start_0:
0x88: {  	s2 =	sld [smem:$0x3FD9]  }
0x89: {  	s3 =	sld [smem:$0x3FFE];
	_ =	sdelay $0x1  }
0x8a: {  	s1 =	srdreg.scid  }
0x8b: {  	s0 =	sand.u32 $0x1, s1  }
0x8c: {  	s17 =	sshll.u32 s0, $0xA;
	s2 =	sadd.s32 s3, s2  }
0x8d: {  	s2 =	sadd.s32 s2, s17  }
0x8e: {  	[smem:$0x3FC2] =	sst s2  }
0x8f: {  	_ = 	snop  }
0x90: {  	s2 =	sld [smem:$0x3FD0];
	(tm) =	ssettm $0x1  }
0x91: {  	s18 =	sld [smem:$0x3FFB];
	_ =	sdelay $0x3  }
0x92: {  	_ =	strace s18  }
0x93: {  	s3 =	sld [smem:$0x3FFC];
	_ =	sdelay $0x3  }
0x94: {  	_ =	strace s3  }
0x95: {  	s3 =	sld [smem:$0x3FFD];
	_ =	sdelay $0x3  }
0x96: {  	_ =	strace s3  }
0x97: {  	_ =	strace $0x8FFFFFFF  }
0x98: {  	s19 =	sld [smem:$0x3FDB];
	_ =	sdelay $0x1  }
0x99: {  	s4 =	simm.s32 $_scs_section_size  }
0x9a: {  	s5 =	simm.s32 $_size__tile_overlayer_lowered;
	s6 =	simm.s32 $_tile_overlayer_lowered  }
0x9b: {  	s22 =	simm.s32 $0x1BFF;
	s21 =	sshll.u32 s6, $0x1;
	s3 =	sadd.s32 s4, s19  }
0x9c: {  	s7 =	simm.s32 $0x0;
	s20 =	sshll.u32 s5, $0x1;
	s5 =	sadd.s32 s21, s3  }
0x9d: {  	[timem:s7], [sflag:s22] =	dma.local [hbm:s5], s20  }
0x9e: {  	_ =	swait.ge [sflag:s22], s20  }
0x9f: {  	s4 =	ssub.s32 $0x0, s20;
	[sflag:s22] =	ssyncset.done $0x0  }
0xa0: {  	[sflag:s22] =	ssyncadd.s32 s4;
	_ =	sdelay $0x1  }
0xa1: {  	s23 =	simm.s32 $0x1B8B  }
0xa2: {  	_ =	swait.ge [sflag:s23], $0x1  }
0xa3: {  	[sflag:s23] =	ssyncset.done $0x0  }
0xa4: {  	s25 =	simm.s32 $0x1B8E;
	s24 =	sld [smem:$0x3FFE];
	[sflag:s23] =	ssyncadd.s32 $0xFFFFFFFF  }
0xa5: {  	s26 =	simm.s32 $execute0_lowered;
	[smem:$0x3FD2] =	sst s25  }
0xa6: {  	s5 =	sshll.u32 s26, $0x1;
	_ =	strace $0x80000049;
	[dreg:$0x1] =	wrdreg $0xFFFFFFFF  }
0xa7: {  	s28 =	simm.s32 $_size_execute0_lowered;
	s3 =	sadd.s32 s3, s5;
	[dreg:$0x0] =	wrdreg $0x0  }
0xa8: {  	s5 =	sshll.u32 s28, $0x1;
	[dreg:$0x2] =	wrdreg s3  }
0xa9: {  	[dreg:$0x3] =	wrdreg s5  }
0xaa: {  	[dreg:$0x4] =	wrdreg $0xC0  }
0xab: {  	_ =	task [dreg:s7], $0x5FFFF  }
0xac: {  	[dreg:$0x1] =	wrdreg $0xFFFFFFFF  }
0xad: {  	[dreg:$0x0] =	wrdreg $0x60  }
0xae: {  	[dreg:$0x2] =	wrdreg s24  }
0xaf: {  	[dreg:$0x3] =	wrdreg s2  }
0xb0: {  	[dreg:$0x4] =	wrdreg $0x48A00  }
0xb1: {  	[dreg:$0x5] =	wrdreg $0x9  }
0xb2: {  	_ =	task.clear_ibuf [dreg:s7], $0x6FFFF;
	_ =	strace $0x90000049  }
0xb3: {  	s29 =	simm.s32 $0x9;
	_ =	strace $0x8000004B  }
0xb4: {  	_ =	swait.ge [sflag:s29], $0x1  }
0xb5: {  	[sflag:s29] =	ssyncadd.s32 $0xFFFFFFFF  }
0xb6: {  	_ =	strace $0x9000004B  }
0xb7: {  	_ =	sfence  }
0xb8: {  	s30 =	sld [smem:$0x0];
	_ =	sdelay $0x2  }
0xb9: {  	s31 =	sshll.u32 s1, $0xD;
	s1 =	sshrl.u32 s1, $0x2  }
0xba: {  	s3 =	sand.u32 $0x4000, s31;
	s1 =	sadd.s32 s1, s30  }
0xbb: {  	s0 =	sor.u32 s3, s0;
	s1 =	sshll.u32 s1, $0x11  }
0xbc: {  	s0 =	sor.u32 s1, s0  }
0xbd: {  	s0 =	sadd.s32 $0x8F2B, s0  }
0xbe: {  	[sflag:s0] =	ssyncadd.remote.s32 $0x1  }
0xbf: {  	_ =	sfence.sel $0xFFFF  }
0xc0: {  	[dreg:$0x0] =	wrdreg $0xFFFFFFFF;
	(pc) =	sbr.abs _section_cstart, $3  }
0xc1: {  	[dreg:$0x1] =	wrdreg $0xFFFFFFFF  }
0xc2: {  	_ =	task.clear_ibuf [dreg:s7], $0x2FFFF;
	_ =	strace $0x9FFFFFFF  }
0xc3: {  	(tm) =	ssettm $0x7FFFFFFF  }
tec
execute0_lowered:
.L_overlay_start_1:
0x0: {  	(tag) =	ssettag $0x1  }
0x1: {  	s5 =	rddreg [dreg:$0x0]  }
0x2: {  	s18 =	rddreg [dreg:$0x1];
	s1 =	srdreg.scid  }
0x3: {  	s0 =	stileid.u32;
	s2 =	rddreg [dreg:$0x2];
	s3 =	simm.s32 $0x0  }
0x4: {  	s20 =	simm.s32 $0x2;
	s21 =	simm.s32 $0x50;
	s4 =	smul.u32 $0x4E20, s0  }
0x5: {  	s22 =	simm.s32 $0xA0;
	s23 =	simm.s32 $0x1;
	s9 =	smul.u32 $0x14000, s0  }
0x6: {  	s6 =	sand.u32 $0x1, s1;
	s1 =	rddreg [dreg:$0x3];
	s31 =	smul.u32 $0x50000, s0  }
0x7: {  	s25 =	simm.s32 $0x0;
	[smem:$0x7FF] =	sst s3;
	s7 =	smul.u32 $0x2710, s6  }
0x8: {  	s8 =	smul.u32 $0x140000, s6;
	_ =	strace $0x8000004A;
	s6 =	ssub.s32 $0x2, s6  }
0x9: {  	s10 =	sshrl.u32 s6, $0x1;
	s24 =	sadd.s32 s9, s2;
	s7 =	sadd.s32 s7, s4  }
0xa: {  	s4 =	sadd.s32 $0xBA00, s5;
	s8 =	sadd.s32 s9, s8;
	s10 =	ssub.s32 s6, s10  }
0xb: {  	s24 =	sshrl.u32 s24, $0x3;
	s19 =	sshrl.u32 s7, $0x3;
	s8 =	sshrl.u32 s8, $0x3  }
0xc: {  	s7 =	sshrl.u32 s31, $0x2;
	s17 =	sadd.s32 s19, s5;
	s8 =	sadd.s32 s8, s5  }
0xd: {  	s5 =	sadd.s32 s7, s2;
	s7 =	smax.u32 s10, $0x1;
	s18 =	sadd.s32 s19, s18  }
0xe: {  	s19 =	simm.s32 $0x28A0;
	s6 =	sadd.s32 $0x32C00, s8;
	s8 =	sadd.s32 $0x2000, s5  }
0xf: {  	s9 =	sadd.s32 $0x4000, s5;
	s10 =	sadd.s32 $0x6000, s5;
	s11 =	sadd.s32 $0x8000, s5  }
0x10: {  	s12 =	sadd.s32 $0xA000, s5;
	s13 =	sadd.s32 $0xC000, s5;
	s14 =	sadd.s32 $0xE000, s5  }
0x11: {  	v0 =	vimm.f32 $0.0e+00;
	s15 =	sadd.s32 $0x10000, s5;
	s16 =	sadd.s32 $0x12000, s5;
	s17 =	sadd.s32 $0x1C00, s17  }
.LBB2_1:
0x12: {  	s26 =	sand.u32 $0x7E00, s3  }
0x13: {  	s28 =	sand.u32 $0x70, s3;
	s29 =	sshrl.u32 s26, $0x2  }
0x14: {  	s26 =	simm.s32 $0x40;
	s29 =	sor.u32 s28, s29;
	s28 =	simm.s32 $0x0  }
.LBB2_2:
0x15: {  	p0 =	sne.s32 s26, $0x7FC0  }
0x16: {  	[tilespmem:s29+$0x28A0] =	vst v0;
	s28 =	sadd.s32 $0x10, s28;
	s29 =	smov.u32 s26;
	s26 =	sadd.s32 $0x40, s26  }
.Ltmp0:
0x17: {  	(pc) =	sbr.rel @p0 .LBB2_2-.Ltmp0, $4  }
0x18: {  	_ = 	snop  }
0x19: {  	s29 =	sand.u32 $0x7E00, s29  }
0x1a: {  	s30 =	sand.u32 $0x70, s28;
	s29 =	sshrl.u32 s29, $0x2  }
0x1b: {  	s29 =	sor.u32 s30, s29  }
0x1c: {  	[tilespmem:s29+$0x28A0] =	vst v0  }
0x1d: {  	[spmem:s5] =	stream.linear.scatter [tilespmem:s19], [sflag:$0x2], $0x2000, $0x38;
	[tilespmem:$0x188A0] =	vst v63  }
0x1e: {  	_ =	swait.ge [sflag:s20], $0x2000  }
0x1f: {  	[sflag:s20] =	ssyncset.done $0x0  }
0x20: {  	[sflag:s20] =	ssyncadd.s32 $0xFFFFE000  }
0x21: {  	[spmem:s8] =	stream.linear.scatter [tilespmem:s19], [sflag:$0x2], $0x2000, $0x38;
	[tilespmem:$0x188A0] =	vst v63  }
0x22: {  	_ =	swait.ge [sflag:s20], $0x2000  }
0x23: {  	[sflag:s20] =	ssyncset.done $0x0  }
0x24: {  	[sflag:s20] =	ssyncadd.s32 $0xFFFFE000  }
0x25: {  	[spmem:s9] =	stream.linear.scatter [tilespmem:s19], [sflag:$0x2], $0x2000, $0x38;
	[tilespmem:$0x188A0] =	vst v63  }
0x26: {  	_ =	swait.ge [sflag:s20], $0x2000  }
0x27: {  	[sflag:s20] =	ssyncset.done $0x0  }
0x28: {  	[sflag:s20] =	ssyncadd.s32 $0xFFFFE000  }
0x29: {  	[spmem:s10] =	stream.linear.scatter [tilespmem:s19], [sflag:$0x2], $0x2000, $0x38;
	[tilespmem:$0x188A0] =	vst v63  }
0x2a: {  	_ =	swait.ge [sflag:s20], $0x2000  }
0x2b: {  	[sflag:s20] =	ssyncset.done $0x0  }
0x2c: {  	[sflag:s20] =	ssyncadd.s32 $0xFFFFE000  }
0x2d: {  	[spmem:s11] =	stream.linear.scatter [tilespmem:s19], [sflag:$0x2], $0x2000, $0x38;
	[tilespmem:$0x188A0] =	vst v63  }
0x2e: {  	_ =	swait.ge [sflag:s20], $0x2000  }
0x2f: {  	[sflag:s20] =	ssyncset.done $0x0  }
0x30: {  	[sflag:s20] =	ssyncadd.s32 $0xFFFFE000  }
0x31: {  	[spmem:s12] =	stream.linear.scatter [tilespmem:s19], [sflag:$0x2], $0x2000, $0x38;
	[tilespmem:$0x188A0] =	vst v63  }
0x32: {  	_ =	swait.ge [sflag:s20], $0x2000  }
0x33: {  	[sflag:s20] =	ssyncset.done $0x0  }
0x34: {  	[sflag:s20] =	ssyncadd.s32 $0xFFFFE000  }
0x35: {  	[spmem:s13] =	stream.linear.scatter [tilespmem:s19], [sflag:$0x2], $0x2000, $0x38;
	[tilespmem:$0x188A0] =	vst v63  }
0x36: {  	_ =	swait.ge [sflag:s20], $0x2000  }
0x37: {  	[sflag:s20] =	ssyncset.done $0x0  }
0x38: {  	[sflag:s20] =	ssyncadd.s32 $0xFFFFE000  }
0x39: {  	[spmem:s14] =	stream.linear.scatter [tilespmem:s19], [sflag:$0x2], $0x2000, $0x38;
	[tilespmem:$0x188A0] =	vst v63  }
0x3a: {  	_ =	swait.ge [sflag:s20], $0x2000  }
0x3b: {  	[sflag:s20] =	ssyncset.done $0x0  }
0x3c: {  	[sflag:s20] =	ssyncadd.s32 $0xFFFFE000  }
0x3d: {  	[spmem:s15] =	stream.linear.scatter [tilespmem:s19], [sflag:$0x2], $0x2000, $0x38;
	[tilespmem:$0x188A0] =	vst v63  }
0x3e: {  	_ =	swait.ge [sflag:s20], $0x2000  }
0x3f: {  	[sflag:s20] =	ssyncset.done $0x0  }
0x40: {  	[sflag:s20] =	ssyncadd.s32 $0xFFFFE000  }
0x41: {  	[spmem:s16] =	stream.linear.scatter [tilespmem:s19], [sflag:$0x2], $0x2000, $0x38;
	[tilespmem:$0x188A0] =	vst v63  }
0x42: {  	_ =	swait.ge [sflag:s20], $0x2000  }
0x43: {  	[sflag:s20] =	ssyncset.done $0x0  }
0x44: {  	[sflag:s20] =	ssyncadd.s32 $0xFFFFE000  }
0x45: {  	s26 =	sadd.s32 $0x0, s18;
	[bflag:$0x0] =	sbarrier.arrive $0xFFFF  }
0x46: {  	[tilespmem:s3], [sflag:$0x2] =	stream.linear.gather [hbm4b:s26+s3], $0x50, $0x38;
	[tilespmem:$0x188A0] =	vst v63  }
0x47: {  	_ =	swait.ge [sflag:s20], $0x50  }
0x48: {  	[sflag:s20] =	ssyncset.done $0x0  }
0x49: {  	s31 =	sadd.s32 $0x0, s17;
	[sflag:s20] =	ssyncadd.s32 $0xFFFFFFB0  }
0x4a: {  	[tilespmem:s21], [sflag:$0x2] =	stream.linear.gather [hbm4b:s31+s3], $0x50, $0x38;
	[tilespmem:$0x188A0] =	vst v63  }
0x4b: {  	_ =	swait.ge [sflag:s20], $0x50  }
0x4c: {  	[sflag:s20] =	ssyncset.done $0x0  }
0x4d: {  	[sflag:s20] =	ssyncadd.s32 $0xFFFFFFB0  }
0x4e: {  	[tilespmem:s22], [sflag:$0x1] =	stream.indirect.gather [hbm4b:s4+s21], $0x80, s3, s21, $0xb8;
	[tilespmem:$0x188A0] =	vst v63  }
0x4f: {  	_ =	swait.ge [sflag:s23], $0x2800  }
0x50: {  	[sflag:s23] =	ssyncset.done $0x0  }
0x51: {  	[sflag:s23] =	ssyncadd.s32 $0xFFFFD800  }
0x52: {  	[spmem:s2] =	stream.indirect.scatter.add.f32 [tilespmem:s22], [sflag:$0x2], $0x80, s21, s21, $0xb8;
	[tilespmem:$0x188A0] =	vst v63  }
0x53: {  	_ =	swait.ge [sflag:s20], $0x2800  }
0x54: {  	s28 =	simm.s32 $0x14;
	s26 =	simm.s32 $0xA;
	[sflag:s20] =	ssyncset.done $0x0  }
.LBB2_4:
0x55: {  	s29 =	sadd.s32 s26, s18  }
0x56: {  	[sflag:s20] =	ssyncadd.s32 $0xFFFFD800;
	s30 =	smov.u32 s28;
	s31 =	sadd.s32 $0xA, s28  }
0x57: {  	[tilespmem:s3], [sflag:$0x2] =	stream.linear.gather [hbm4b:s29+s3], $0x50, $0x38;
	[tilespmem:$0x188A0] =	vst v63  }
0x58: {  	p0 =	sne.s32 s28, $0x4D8;
	_ =	swait.ge [sflag:s20], $0x50  }
0x59: {  	[sflag:s20] =	ssyncset.done $0x0  }
0x5a: {  	s28 =	sadd.s32 s26, s17;
	s26 =	smov.u32 s30;
	[sflag:s20] =	ssyncadd.s32 $0xFFFFFFB0  }
0x5b: {  	[tilespmem:s21], [sflag:$0x2] =	stream.linear.gather [hbm4b:s28+s3], $0x50, $0x38;
	[tilespmem:$0x188A0] =	vst v63  }
0x5c: {  	_ =	swait.ge [sflag:s20], $0x50  }
0x5d: {  	[sflag:s20] =	ssyncset.done $0x0  }
0x5e: {  	[sflag:s20] =	ssyncadd.s32 $0xFFFFFFB0  }
0x5f: {  	[tilespmem:s22], [sflag:$0x1] =	stream.indirect.gather [hbm4b:s4+s21], $0x80, s3, s21, $0xb8;
	[tilespmem:$0x188A0] =	vst v63  }
0x60: {  	_ =	swait.ge [sflag:s23], $0x2800  }
.Ltmp1:
0x61: {  	[sflag:s23] =	ssyncset.done $0x0;
	(pc) =	sbr.rel @p0 .LBB2_4-.Ltmp1, $4  }
0x62: {  	[sflag:s23] =	ssyncadd.s32 $0xFFFFD800  }
0x63: {  	[spmem:s2] =	stream.indirect.scatter.add.f32 [tilespmem:s22], [sflag:$0x2], $0x80, s21, s21, $0xb8;
	[tilespmem:$0x188A0] =	vst v63  }
0x64: {  	_ =	swait.ge [sflag:s20], $0x2800  }
0x65: {  	s28 =	smov.u32 s31;
	[sflag:s20] =	ssyncset.done $0x0  }
0x66: {  	s28 =	sadd.s32 s26, s18;
	[sflag:s20] =	ssyncadd.s32 $0xFFFFD800  }
0x67: {  	[tilespmem:s3], [sflag:$0x2] =	stream.linear.gather [hbm4b:s28+s3], $0x50, $0x38;
	[tilespmem:$0x188A0] =	vst v63  }
0x68: {  	_ =	swait.ge [sflag:s20], $0x50  }
0x69: {  	[sflag:s20] =	ssyncset.done $0x0  }
0x6a: {  	s30 =	sadd.s32 s26, s17;
	[sflag:s20] =	ssyncadd.s32 $0xFFFFFFB0  }
0x6b: {  	[tilespmem:s21], [sflag:$0x2] =	stream.linear.gather [hbm4b:s30+s3], $0x50, $0x38;
	[tilespmem:$0x188A0] =	vst v63  }
0x6c: {  	_ =	swait.ge [sflag:s20], $0x50  }
0x6d: {  	[sflag:s20] =	ssyncset.done $0x0  }
0x6e: {  	[sflag:s20] =	ssyncadd.s32 $0xFFFFFFB0  }
0x6f: {  	[tilespmem:s22], [sflag:$0x1] =	stream.indirect.gather [hbm4b:s4+s21], $0x80, s3, s21, $0xb8;
	[tilespmem:$0x188A0] =	vst v63  }
0x70: {  	_ =	swait.ge [sflag:s23], $0x2800  }
0x71: {  	[sflag:s23] =	ssyncset.done $0x0  }
0x72: {  	[sflag:s23] =	ssyncadd.s32 $0xFFFFD800  }
0x73: {  	[spmem:s2] =	stream.indirect.scatter.add.f32 [tilespmem:s22], [sflag:$0x2], $0x80, s21, s21, $0xb8;
	[tilespmem:$0x188A0] =	vst v63  }
0x74: {  	_ =	swait.ge [sflag:s20], $0x2800  }
0x75: {  	s25 =	sadd.s32 $0x1, s25;
	[sflag:s20] =	ssyncset.done $0x0  }
0x76: {  	s31 =	sshll.u32 s0, $0x6;
	p0 =	sne.s32 s25, s7;
	[sflag:s20] =	ssyncadd.s32 $0xFFFFD800  }
.Ltmp2:
0x77: {  	s26 =	sor.u32 $0x1C02, s31;
	[bflag:$0x0] =	sbarrier.arrive $0xFFFF;
	(pc) =	sbr.rel @p0 .LBB2_1-.Ltmp2, $4  }
0x78: {  	[hbm:s6], [sflag:s26] =	dma.local [spmem:s24], $0x2800  }
0x79: {  	_ =	swait.ge [sflag:s20], $0x2800  }
0x7a: {  	[sflag:s20] =	ssyncset.done $0x0  }
0x7b: {  	[sflag:s20] =	ssyncadd.s32 $0xFFFFD800  }
0x7c: {  	_ =	sfence.sel $0x180000  }
0x7d: {  	[bflag:$0x0] =	sbarrier.arrive $0xFFFF  }
0x7e: {  	p0 =	sne.s32 s0, $0x0;
	_ =	strace $0x9000004A  }
0x7f: {  	s0 =	sadd.s32 @!p0 $0x100000, s1;
	[bflag:$0x2] =	sbarrier.arrive $0xFFFF  }
0x80: {  	[sflag:s0] =	ssyncadd.tile.s32 @!p0 $0x1;
	_ =	shalt  }
.Lfunc_end2:
_tile_overlayer_lowered:
.L_overlay_start_2:
0x81: {  	(tag) =	ssettag $0x2  }
0x82: {  	s0 =	rddreg [dreg:$0x0];
	s2 =	stileid.u32  }
0x83: {  	s1 =	rddreg [dreg:$0x1];
	p0 =	sne.s32 s2, $0x0  }
0x84: {  	s3 =	rddreg [dreg:$0x2];
	[bflag:$0x3] =	sbarrier.arrive $0xFFFF;
	s2 =	simm.s32 @!p0 $0x1C02  }
0x85: {  	[timem:s3], [sflag:s2] =	dma.local @!p0 [hbm:s0], s1  }
0x86: {  	s0 =	simm.s32 @!p0 $0x2  }
0x87: {  	_ =	swait.ge @!p0 [sflag:s0], s1  }
0x88: {  	s1 =	ssub.s32 @!p0 $0x0, s1;
	[sflag:s0] =	ssyncset.done @!p0 $0x0  }
0x89: {  	[sflag:s0] =	ssyncadd.s32 @!p0 s1  }
0x8a: {  	[bflag:$0x3] =	sbarrier.arrive $0xFFFF  }
0x8b: {  	_ =	shalt  }

// kernel: kernel.14.cloned.1.call-start
scs
__scs_entry_jumppad:
0x0: {  	(pc) =	sbr.rel $0x88, $3  }
0x1: {  	(tag) =	ssettag $0x0;
	lr =	simm.s32 $0x1  }
0x2: {  	[smem:$0x3F9B] =	sst lr;
	_ =	strace $0xD0000000  }
0x3: {  	_ = 	snop  }
0x4: {  	_ = 	snop  }
0x5: {  	_ = 	snop  }
0x6: {  	_ = 	snop  }
0x7: {  	_ = 	snop  }
__scs_overlays_trampoline_lowered:
0x8: {  	[smem:$0x3FAA] =	sst s0  }
0x9: {  	[smem:$0x3FAB] =	sst s1  }
0xa: {  	[smem:$0x3FAC] =	sst s2  }
0xb: {  	[smem:$0x3FAD] =	sst s3  }
0xc: {  	[smem:$0x3FAE] =	sst s4  }
0xd: {  	[smem:$0x3FAF] =	sst s5  }
0xe: {  	[smem:$0x3FB0] =	sst s6  }
0xf: {  	[smem:$0x3FB1] =	sst s7  }
0x10: {  	[smem:$0x3FB2] =	sst s8  }
0x11: {  	[smem:$0x3FB3] =	sst s9;
	s0 =	simm.s32 @!p0 $0x0  }
0x12: {  	s1 =	sld [smem:$0x3F99];
	s0 =	simm.s32 @p0 $0x1  }
0x13: {  	[smem:$0x3FB4] =	sst s0;
	s0 =	simm.s32 @!p1 $0x0  }
0x14: {  	s2 =	sld [smem:$0x3F98];
	s0 =	simm.s32 @p1 $0x1  }
0x15: {  	[smem:$0x3FB5] =	sst s0;
	s0 =	simm.s32 @!p2 $0x0  }
0x16: {  	s3 =	sld [smem:$0x3FDB];
	s0 =	simm.s32 @p2 $0x1  }
0x17: {  	s4 =	simm.s32 $0x1BF5;
	[smem:$0x3FB7] =	sst s0  }
0x18: {  	s0 =	sld [smem:$0x3F9A];
	_ =	swait.ge [sflag:s4], $0x0  }
0x19: {  	s7 =	sld [smem:$0x3F9B]  }
0x1a: {  	s8 =	sadd.s32 $0xFFFFE003, lr  }
0x1b: {  	s9 =	sadd.s32 $0xFFFFFEF7, lr;
	s5 =	simm.s32 $0xFFFFFFFF;
	p2 =	slt.u32 s8, $0xFFFFF086  }
0x1c: {  	p1 =	slt.u32 s9, $0xF7A;
	s5 =	simm.s32 @!p2 $0x0  }
0x1d: {  	s5 =	simm.s32 @p1 $0x1;
	p0 =	seq.s32 s7, s2  }
0x1e: {  	s7 =	smul.u32 @!p0 $0xF7A, s2;
	p2 =	seq.s32 @!p0 s5, $0x0  }
0x1f: {  	s9 =	smul.u32 $0xF7A, s1;
	s8 =	simm.s32 @!p0 $0x1BF5;
	p2 =	por !p2, p0  }
0x20: {  	[sflag:s8] =	ssyncset.s32 @!p0 $0xFFFFF086;
	s6 =	sadd.s32 @!p0 s3, s7;
	s7 =	simm.s32 @!p0 $0x108  }
0x21: {  	s3 =	sadd.s32 s3, s9;
	s6 =	sadd.s32 @!p0 $0x88, s6;
	s7 =	simm.s32 @p2 $0x1082  }
0x22: {  	[simem:s7], [sflag:s8] =	dma.local @!p0 [hbm:s6], $0xF7A  }
0x23: {  	s9 =	sor.u32 $0xD0000000, s2;
	s6 =	simm.s32 $0x108;
	_ =	swait.ge @!p0 [sflag:s8], $0x0  }
0x24: {  	s3 =	sadd.s32 $0x88, s3;
	s6 =	simm.s32 @!p1 $0x1082;
	[sflag:s4] =	ssyncset.s32 $0xFFFFF086  }
0x25: {  	[simem:s6], [sflag:s4] =	dma.local [hbm:s3], $0xF7A  }
0x26: {  	[smem:$0x3F9B] =	sst s1;
	(tag) =	ssettag s2;
	_ =	strace s9  }
0x27: {  	s1 =	sld [smem:$0x3FAB]  }
0x28: {  	s2 =	sld [smem:$0x3FAC]  }
0x29: {  	s4 =	sld [smem:$0x3FAE]  }
0x2a: {  	p0 =	seq.s32 s5, $0x0;
	s5 =	sld [smem:$0x3FAF]  }
0x2b: {  	s6 =	sld [smem:$0x3FB0]  }
0x2c: {  	s7 =	sld [smem:$0x3FB1]  }
0x2d: {  	s3 =	simm.s32 $0x108;
	s8 =	sld [smem:$0x3FB2]  }
0x2e: {  	s3 =	simm.s32 @!p0 $0x1082;
	s9 =	sld [smem:$0x3FB3]  }
0x2f: {  	lr =	sadd.s32 s0, s3;
	s0 =	sld [smem:$0x3FAA]  }
0x30: {  	s3 =	sld [smem:$0x3FAD]  }
0x31: {  	[smem:$0x3FB6] =	sst s10  }
0x32: {  	s10 =	sld [smem:$0x3FB4];
	_ =	sdelay $0x3  }
0x33: {  	p0 =	seq.s32 s10, $0x1;
	s10 =	sld [smem:$0x3FB6];
	_ =	sdelay $0x3  }
0x34: {  	[smem:$0x3FB6] =	sst s10  }
0x35: {  	s10 =	sld [smem:$0x3FB5];
	_ =	sdelay $0x3  }
0x36: {  	p1 =	seq.s32 s10, $0x1;
	s10 =	sld [smem:$0x3FB6];
	_ =	sdelay $0x3  }
0x37: {  	[smem:$0x3FB6] =	sst s10  }
0x38: {  	s10 =	sld [smem:$0x3FB7]  }
0x39: {  	_ = 	snop;
	(pc) =	sbr.ind lr, $3  }
0x3a: {  	_ = 	snop  }
0x3b: {  	_ = 	snop  }
0x3c: {  	p2 =	seq.s32 s10, $0x1;
	s10 =	sld [smem:$0x3FB6]  }
0x3d: {  	_ =	shalt  }
0x3e: {  	_ =	shalt  }
0x3f: {  	_ =	shalt  }
0x40: {  	_ =	shalt  }
0x41: {  	_ =	shalt  }
0x42: {  	_ =	shalt  }
0x43: {  	_ =	shalt  }
0x44: {  	_ =	shalt  }
0x45: {  	_ =	shalt  }
0x46: {  	_ =	shalt  }
0x47: {  	_ =	shalt  }
0x48: {  	_ =	shalt  }
0x49: {  	_ =	shalt  }
0x4a: {  	_ =	shalt  }
0x4b: {  	_ =	shalt  }
0x4c: {  	_ =	shalt  }
0x4d: {  	_ =	shalt  }
0x4e: {  	_ =	shalt  }
0x4f: {  	_ =	shalt  }
0x50: {  	_ =	shalt  }
0x51: {  	_ =	shalt  }
0x52: {  	_ =	shalt  }
0x53: {  	_ =	shalt  }
0x54: {  	_ =	shalt  }
0x55: {  	_ =	shalt  }
0x56: {  	_ =	shalt  }
0x57: {  	_ =	shalt  }
0x58: {  	_ =	shalt  }
0x59: {  	_ =	shalt  }
0x5a: {  	_ =	shalt  }
0x5b: {  	_ =	shalt  }
0x5c: {  	_ =	shalt  }
0x5d: {  	_ =	shalt  }
0x5e: {  	_ =	shalt  }
0x5f: {  	_ =	shalt  }
0x60: {  	_ =	shalt  }
0x61: {  	_ =	shalt  }
0x62: {  	_ =	shalt  }
0x63: {  	_ =	shalt  }
0x64: {  	_ =	shalt  }
0x65: {  	_ =	shalt  }
0x66: {  	_ =	shalt  }
0x67: {  	_ =	shalt  }
0x68: {  	_ =	shalt  }
0x69: {  	_ =	shalt  }
0x6a: {  	_ =	shalt  }
0x6b: {  	_ =	shalt  }
0x6c: {  	_ =	shalt  }
0x6d: {  	_ =	shalt  }
0x6e: {  	_ =	shalt  }
0x6f: {  	_ =	shalt  }
0x70: {  	_ =	shalt  }
0x71: {  	_ =	shalt  }
0x72: {  	_ =	shalt  }
0x73: {  	_ =	shalt  }
0x74: {  	_ =	shalt  }
0x75: {  	_ =	shalt  }
0x76: {  	_ =	shalt  }
0x77: {  	_ =	shalt  }
0x78: {  	_ =	shalt  }
0x79: {  	_ =	shalt  }
0x7a: {  	_ =	shalt  }
0x7b: {  	_ =	shalt  }
0x7c: {  	_ =	shalt  }
0x7d: {  	_ =	shalt  }
0x7e: {  	_ =	shalt  }
0x7f: {  	_ =	shalt  }
0x80: {  	_ =	shalt  }
0x81: {  	_ =	shalt  }
0x82: {  	_ =	shalt  }
0x83: {  	_ =	shalt  }
0x84: {  	_ =	shalt  }
0x85: {  	_ =	shalt  }
0x86: {  	_ =	shalt  }
0x87: {  	_ =	shalt  }
.Lfunc_end0:
.L_simem_size_0:
called_computation.2_lowered:
.L_overlay_start_0:
0x88: {  	s2 =	sld [smem:$0x3FD9]  }
0x89: {  	s3 =	sld [smem:$0x3FFE];
	_ =	sdelay $0x1  }
0x8a: {  	s1 =	srdreg.scid  }
0x8b: {  	s0 =	sand.u32 $0x1, s1  }
0x8c: {  	s17 =	sshll.u32 s0, $0xA;
	s2 =	sadd.s32 s3, s2  }
0x8d: {  	s2 =	sadd.s32 s2, s17  }
0x8e: {  	[smem:$0x3FC2] =	sst s2  }
0x8f: {  	_ = 	snop  }
0x90: {  	s2 =	sld [smem:$0x3FD0];
	(tm) =	ssettm $0x1  }
0x91: {  	s18 =	sld [smem:$0x3FFB];
	_ =	sdelay $0x3  }
0x92: {  	_ =	strace s18  }
0x93: {  	s3 =	sld [smem:$0x3FFC];
	_ =	sdelay $0x3  }
0x94: {  	_ =	strace s3  }
0x95: {  	s3 =	sld [smem:$0x3FFD];
	_ =	sdelay $0x3  }
0x96: {  	_ =	strace s3  }
0x97: {  	_ =	strace $0x8FFFFFFF  }
0x98: {  	s19 =	sld [smem:$0x3FDB];
	_ =	sdelay $0x1  }
0x99: {  	s4 =	simm.s32 $_scs_section_size  }
0x9a: {  	s5 =	simm.s32 $_size__tile_overlayer_lowered;
	s6 =	simm.s32 $_tile_overlayer_lowered  }
0x9b: {  	s22 =	simm.s32 $0x1BFF;
	s21 =	sshll.u32 s6, $0x1;
	s3 =	sadd.s32 s4, s19  }
0x9c: {  	s7 =	simm.s32 $0x0;
	s20 =	sshll.u32 s5, $0x1;
	s5 =	sadd.s32 s21, s3  }
0x9d: {  	[timem:s7], [sflag:s22] =	dma.local [hbm:s5], s20  }
0x9e: {  	_ =	swait.ge [sflag:s22], s20  }
0x9f: {  	s4 =	ssub.s32 $0x0, s20;
	[sflag:s22] =	ssyncset.done $0x0  }
0xa0: {  	[sflag:s22] =	ssyncadd.s32 s4;
	_ =	sdelay $0x1  }
0xa1: {  	s23 =	simm.s32 $0x1B8B  }
0xa2: {  	_ =	swait.ge [sflag:s23], $0x1  }
0xa3: {  	[sflag:s23] =	ssyncset.done $0x0  }
0xa4: {  	s25 =	simm.s32 $0x1B8E;
	s24 =	sld [smem:$0x3FFE];
	[sflag:s23] =	ssyncadd.s32 $0xFFFFFFFF  }
0xa5: {  	s26 =	simm.s32 $execute0_lowered;
	[smem:$0x3FD2] =	sst s25  }
0xa6: {  	s5 =	sshll.u32 s26, $0x1;
	_ =	strace $0x8000004C;
	[dreg:$0x1] =	wrdreg $0xFFFFFFFF  }
0xa7: {  	s28 =	simm.s32 $_size_execute0_lowered;
	s3 =	sadd.s32 s3, s5;
	[dreg:$0x0] =	wrdreg $0x0  }
0xa8: {  	s5 =	sshll.u32 s28, $0x1;
	[dreg:$0x2] =	wrdreg s3  }
0xa9: {  	[dreg:$0x3] =	wrdreg s5  }
0xaa: {  	[dreg:$0x4] =	wrdreg $0xC0  }
0xab: {  	_ =	task [dreg:s7], $0x5FFFF  }
0xac: {  	[dreg:$0x1] =	wrdreg $0xFFFFFFFF  }
0xad: {  	[dreg:$0x0] =	wrdreg $0x60  }
0xae: {  	[dreg:$0x2] =	wrdreg s24  }
0xaf: {  	[dreg:$0x3] =	wrdreg s2  }
0xb0: {  	[dreg:$0x4] =	wrdreg $0x1BA00  }
0xb1: {  	[dreg:$0x5] =	wrdreg $0x9  }
0xb2: {  	_ =	task.clear_ibuf [dreg:s7], $0x6FFFF;
	_ =	strace $0x9000004C  }
0xb3: {  	s29 =	simm.s32 $0x9;
	_ =	strace $0x8000004E  }
0xb4: {  	_ =	swait.ge [sflag:s29], $0x1  }
0xb5: {  	[sflag:s29] =	ssyncadd.s32 $0xFFFFFFFF  }
0xb6: {  	_ =	strace $0x9000004E  }
0xb7: {  	_ =	sfence  }
0xb8: {  	s30 =	sld [smem:$0x0];
	_ =	sdelay $0x2  }
0xb9: {  	s31 =	sshll.u32 s1, $0xD;
	s1 =	sshrl.u32 s1, $0x2  }
0xba: {  	s3 =	sand.u32 $0x4000, s31;
	s1 =	sadd.s32 s1, s30  }
0xbb: {  	s0 =	sor.u32 s3, s0;
	s1 =	sshll.u32 s1, $0x11  }
0xbc: {  	s0 =	sor.u32 s1, s0  }
0xbd: {  	s0 =	sadd.s32 $0x8F2B, s0  }
0xbe: {  	[sflag:s0] =	ssyncadd.remote.s32 $0x1  }
0xbf: {  	_ =	sfence.sel $0xFFFF  }
0xc0: {  	[dreg:$0x0] =	wrdreg $0xFFFFFFFF;
	(pc) =	sbr.abs _section_cstart, $3  }
0xc1: {  	[dreg:$0x1] =	wrdreg $0xFFFFFFFF  }
0xc2: {  	_ =	task.clear_ibuf [dreg:s7], $0x2FFFF;
	_ =	strace $0x9FFFFFFF  }
0xc3: {  	(tm) =	ssettm $0x7FFFFFFF  }
tec
execute0_lowered:
.L_overlay_start_1:
0x0: {  	(tag) =	ssettag $0x1  }
0x1: {  	s5 =	rddreg [dreg:$0x0]  }
0x2: {  	s1 =	srdreg.scid;
	s18 =	rddreg [dreg:$0x1]  }
0x3: {  	s0 =	stileid.u32;
	s2 =	rddreg [dreg:$0x2]  }
0x4: {  	s3 =	simm.s32 $0x0;
	s20 =	simm.s32 $0x2;
	s4 =	smul.u32 $0x4E20, s0  }
0x5: {  	s21 =	simm.s32 $0x50;
	s22 =	simm.s32 $0xA0;
	s9 =	smul.u32 $0x7800, s0  }
0x6: {  	s23 =	simm.s32 $0x1;
	s6 =	sand.u32 $0x1, s1;
	s29 =	smul.u32 $0x1E000, s0  }
0x7: {  	s25 =	simm.s32 $0x0;
	[smem:$0x7FF] =	sst s3;
	s7 =	smul.u32 $0x2710, s6  }
0x8: {  	s8 =	smul.u32 $0x78000, s6;
	_ =	strace $0x8000004D;
	s6 =	ssub.s32 $0x2, s6  }
0x9: {  	s30 =	sshrl.u32 s6, $0x1;
	s31 =	sshrl.u32 s29, $0x2;
	s24 =	sadd.s32 s9, s2  }
0xa: {  	s7 =	sadd.s32 s7, s4;
	s4 =	sadd.s32 $0xBA00, s5;
	s28 =	sadd.s32 s9, s8  }
0xb: {  	s6 =	ssub.s32 s6, s30;
	s24 =	sshrl.u32 s24, $0x3;
	s19 =	sshrl.u32 s7, $0x3  }
0xc: {  	s7 =	sshrl.u32 s28, $0x3;
	s6 =	smax.u32 s6, $0x1;
	s17 =	sadd.s32 s19, s5  }
0xd: {  	s5 =	sadd.s32 s7, s5;
	s7 =	sadd.s32 s31, s2;
	s18 =	sadd.s32 s19, s18  }
0xe: {  	s19 =	simm.s32 $0xFA0;
	s5 =	sadd.s32 $0x1A600, s5;
	s8 =	sadd.s32 $0xC00, s7  }
0xf: {  	s9 =	sadd.s32 $0x1800, s7;
	s10 =	sadd.s32 $0x2400, s7;
	s11 =	sadd.s32 $0x3000, s7  }
0x10: {  	s12 =	sadd.s32 $0x3C00, s7;
	s13 =	sadd.s32 $0x4800, s7;
	s14 =	sadd.s32 $0x5400, s7  }
0x11: {  	v0 =	vimm.f32 $0.0e+00;
	s15 =	sadd.s32 $0x6000, s7;
	s16 =	sadd.s32 $0x6C00, s7;
	s17 =	sadd.s32 $0x1C00, s17  }
.LBB2_1:
0x12: {  	s26 =	smul.u32 $0xAB, s3;
	_ =	sdelay $0x1  }
0x13: {  	s26 =	sshrl.u32 s26, $0x9  }
0x14: {  	s28 =	sand.u32 $0x7F, s26  }
0x15: {  	s26 =	simm.s32 $0x1;
	s29 =	smul.u32 $0x3, s28  }
0x16: {  	s30 =	smul.u32 $0xAB, s26  }
0x17: {  	s1 =	smul.u32 $0xC0, s28;
	s29 =	ssub.s32 $0x0, s29  }
0x18: {  	s28 =	simm.s32 $0x2;
	s0 =	sand.u32 $0xFF, s29  }
0x19: {  	s31 =	sshrl.u32 s30, $0x9;
	s29 =	sshrl.u32 s1, $0x2;
	s30 =	sshll.u32 s0, $0x4  }
.LBB2_2:
0x1a: {  	s0 =	smul.u32 $0xAB, s28;
	s1 =	sand.u32 $0x7F, s31  }
0x1b: {  	s29 =	sadd.s32 s30, s29;
	p0 =	sne.s32 s28, $0xBF;
	s30 =	smul.u32 $0x3, s1  }
.Ltmp0:
0x1c: {  	[tilespmem:s29+$0xFA0] =	vst v0;
	(pc) =	sbr.rel @p0 .LBB2_2-.Ltmp0, $4  }
0x1d: {  	s1 =	smul.u32 $0xC0, s1;
	s29 =	smov.u32 s28  }
0x1e: {  	s28 =	sadd.s32 $0x1, s28;
	s26 =	ssub.s32 s26, s30  }
0x1f: {  	s30 =	sand.u32 $0xFF, s26;
	s26 =	smov.u32 s29  }
0x20: {  	s31 =	sshrl.u32 s0, $0x9;
	s29 =	sshrl.u32 s1, $0x2;
	s30 =	sshll.u32 s30, $0x4  }
0x21: {  	s0 =	sand.u32 $0x7F, s31  }
0x22: {  	s1 =	smul.u32 $0x3, s0;
	_ =	sdelay $0x1  }
0x23: {  	s0 =	smul.u32 $0xC0, s0;
	s1 =	ssub.s32 s26, s1  }
0x24: {  	s1 =	sand.u32 $0xFF, s1  }
0x25: {  	s29 =	sadd.s32 s30, s29;
	s0 =	sshrl.u32 s0, $0x2;
	s1 =	sshll.u32 s1, $0x4  }
0x26: {  	[tilespmem:s29+$0xFA0] =	vst v0;
	s0 =	sadd.s32 s1, s0  }
0x27: {  	[tilespmem:s0+$0xFA0] =	vst v0  }
0x28: {  	[spmem:s7] =	stream.linear.scatter [tilespmem:s19], [sflag:$0x2], $0xC00, $0x38;
	[tilespmem:$0x93A0] =	vst v63  }
0x29: {  	_ =	swait.ge [sflag:s20], $0xC00  }
0x2a: {  	[sflag:s20] =	ssyncset.done $0x0  }
0x2b: {  	[sflag:s20] =	ssyncadd.s32 $0xFFFFF400  }
0x2c: {  	[spmem:s8] =	stream.linear.scatter [tilespmem:s19], [sflag:$0x2], $0xC00, $0x38;
	[tilespmem:$0x93A0] =	vst v63  }
0x2d: {  	_ =	swait.ge [sflag:s20], $0xC00  }
0x2e: {  	[sflag:s20] =	ssyncset.done $0x0  }
0x2f: {  	[sflag:s20] =	ssyncadd.s32 $0xFFFFF400  }
0x30: {  	[spmem:s9] =	stream.linear.scatter [tilespmem:s19], [sflag:$0x2], $0xC00, $0x38;
	[tilespmem:$0x93A0] =	vst v63  }
0x31: {  	_ =	swait.ge [sflag:s20], $0xC00  }
0x32: {  	[sflag:s20] =	ssyncset.done $0x0  }
0x33: {  	[sflag:s20] =	ssyncadd.s32 $0xFFFFF400  }
0x34: {  	[spmem:s10] =	stream.linear.scatter [tilespmem:s19], [sflag:$0x2], $0xC00, $0x38;
	[tilespmem:$0x93A0] =	vst v63  }
0x35: {  	_ =	swait.ge [sflag:s20], $0xC00  }
0x36: {  	[sflag:s20] =	ssyncset.done $0x0  }
0x37: {  	[sflag:s20] =	ssyncadd.s32 $0xFFFFF400  }
0x38: {  	[spmem:s11] =	stream.linear.scatter [tilespmem:s19], [sflag:$0x2], $0xC00, $0x38;
	[tilespmem:$0x93A0] =	vst v63  }
0x39: {  	_ =	swait.ge [sflag:s20], $0xC00  }
0x3a: {  	[sflag:s20] =	ssyncset.done $0x0  }
0x3b: {  	[sflag:s20] =	ssyncadd.s32 $0xFFFFF400  }
0x3c: {  	[spmem:s12] =	stream.linear.scatter [tilespmem:s19], [sflag:$0x2], $0xC00, $0x38;
	[tilespmem:$0x93A0] =	vst v63  }
0x3d: {  	_ =	swait.ge [sflag:s20], $0xC00  }
0x3e: {  	[sflag:s20] =	ssyncset.done $0x0  }
0x3f: {  	[sflag:s20] =	ssyncadd.s32 $0xFFFFF400  }
0x40: {  	[spmem:s13] =	stream.linear.scatter [tilespmem:s19], [sflag:$0x2], $0xC00, $0x38;
	[tilespmem:$0x93A0] =	vst v63  }
0x41: {  	_ =	swait.ge [sflag:s20], $0xC00  }
0x42: {  	[sflag:s20] =	ssyncset.done $0x0  }
0x43: {  	[sflag:s20] =	ssyncadd.s32 $0xFFFFF400  }
0x44: {  	[spmem:s14] =	stream.linear.scatter [tilespmem:s19], [sflag:$0x2], $0xC00, $0x38;
	[tilespmem:$0x93A0] =	vst v63  }
0x45: {  	_ =	swait.ge [sflag:s20], $0xC00  }
0x46: {  	[sflag:s20] =	ssyncset.done $0x0  }
0x47: {  	[sflag:s20] =	ssyncadd.s32 $0xFFFFF400  }
0x48: {  	[spmem:s15] =	stream.linear.scatter [tilespmem:s19], [sflag:$0x2], $0xC00, $0x38;
	[tilespmem:$0x93A0] =	vst v63  }
0x49: {  	_ =	swait.ge [sflag:s20], $0xC00  }
0x4a: {  	[sflag:s20] =	ssyncset.done $0x0  }
0x4b: {  	[sflag:s20] =	ssyncadd.s32 $0xFFFFF400  }
0x4c: {  	[spmem:s16] =	stream.linear.scatter [tilespmem:s19], [sflag:$0x2], $0xC00, $0x38;
	[tilespmem:$0x93A0] =	vst v63  }
0x4d: {  	_ =	swait.ge [sflag:s20], $0xC00  }
0x4e: {  	[sflag:s20] =	ssyncset.done $0x0  }
0x4f: {  	[sflag:s20] =	ssyncadd.s32 $0xFFFFF400  }
0x50: {  	s30 =	sadd.s32 $0x0, s18;
	[bflag:$0x0] =	sbarrier.arrive $0xFFFF  }
0x51: {  	[tilespmem:s3], [sflag:$0x2] =	stream.linear.gather [hbm4b:s30+s3], $0x50, $0x38;
	[tilespmem:$0x93A0] =	vst v63  }
0x52: {  	_ =	swait.ge [sflag:s20], $0x50  }
0x53: {  	[sflag:s20] =	ssyncset.done $0x0  }
0x54: {  	s31 =	sadd.s32 $0x0, s17;
	[sflag:s20] =	ssyncadd.s32 $0xFFFFFFB0  }
0x55: {  	[tilespmem:s21], [sflag:$0x2] =	stream.linear.gather [hbm4b:s31+s3], $0x50, $0x38;
	[tilespmem:$0x93A0] =	vst v63  }
0x56: {  	_ =	swait.ge [sflag:s20], $0x50  }
0x57: {  	[sflag:s20] =	ssyncset.done $0x0  }
0x58: {  	[sflag:s20] =	ssyncadd.s32 $0xFFFFFFB0  }
0x59: {  	[tilespmem:s22], [sflag:$0x1] =	stream.indirect.gather [hbm4b:s4+s21], $0x30, s3, s21, $0xb8;
	[tilespmem:$0x93A0] =	vst v63  }
0x5a: {  	_ =	swait.ge [sflag:s23], $0xF00  }
0x5b: {  	[sflag:s23] =	ssyncset.done $0x0  }
0x5c: {  	[sflag:s23] =	ssyncadd.s32 $0xFFFFF100  }
0x5d: {  	[spmem:s2] =	stream.indirect.scatter.add.f32 [tilespmem:s22], [sflag:$0x2], $0x30, s21, s21, $0xb8;
	[tilespmem:$0x93A0] =	vst v63  }
0x5e: {  	_ =	swait.ge [sflag:s20], $0xF00  }
0x5f: {  	s28 =	simm.s32 $0x14;
	s26 =	simm.s32 $0xA;
	[sflag:s20] =	ssyncset.done $0x0  }
.LBB2_4:
0x60: {  	s0 =	sadd.s32 s26, s18  }
0x61: {  	[sflag:s20] =	ssyncadd.s32 $0xFFFFF100;
	s1 =	smov.u32 s28;
	s29 =	sadd.s32 $0xA, s28  }
0x62: {  	[tilespmem:s3], [sflag:$0x2] =	stream.linear.gather [hbm4b:s0+s3], $0x50, $0x38;
	[tilespmem:$0x93A0] =	vst v63  }
0x63: {  	p0 =	sne.s32 s28, $0x4D8;
	_ =	swait.ge [sflag:s20], $0x50  }
0x64: {  	[sflag:s20] =	ssyncset.done $0x0  }
0x65: {  	s0 =	sadd.s32 s26, s17;
	s26 =	smov.u32 s1;
	[sflag:s20] =	ssyncadd.s32 $0xFFFFFFB0  }
0x66: {  	[tilespmem:s21], [sflag:$0x2] =	stream.linear.gather [hbm4b:s0+s3], $0x50, $0x38;
	[tilespmem:$0x93A0] =	vst v63  }
0x67: {  	_ =	swait.ge [sflag:s20], $0x50  }
0x68: {  	[sflag:s20] =	ssyncset.done $0x0  }
0x69: {  	[sflag:s20] =	ssyncadd.s32 $0xFFFFFFB0  }
0x6a: {  	[tilespmem:s22], [sflag:$0x1] =	stream.indirect.gather [hbm4b:s4+s21], $0x30, s3, s21, $0xb8;
	[tilespmem:$0x93A0] =	vst v63  }
0x6b: {  	_ =	swait.ge [sflag:s23], $0xF00  }
.Ltmp1:
0x6c: {  	[sflag:s23] =	ssyncset.done $0x0;
	(pc) =	sbr.rel @p0 .LBB2_4-.Ltmp1, $4  }
0x6d: {  	[sflag:s23] =	ssyncadd.s32 $0xFFFFF100  }
0x6e: {  	[spmem:s2] =	stream.indirect.scatter.add.f32 [tilespmem:s22], [sflag:$0x2], $0x30, s21, s21, $0xb8;
	[tilespmem:$0x93A0] =	vst v63  }
0x6f: {  	_ =	swait.ge [sflag:s20], $0xF00  }
0x70: {  	s28 =	smov.u32 s29;
	[sflag:s20] =	ssyncset.done $0x0  }
0x71: {  	s0 =	sadd.s32 s26, s18;
	[sflag:s20] =	ssyncadd.s32 $0xFFFFF100  }
0x72: {  	[tilespmem:s3], [sflag:$0x2] =	stream.linear.gather [hbm4b:s0+s3], $0x50, $0x38;
	[tilespmem:$0x93A0] =	vst v63  }
0x73: {  	_ =	swait.ge [sflag:s20], $0x50  }
0x74: {  	[sflag:s20] =	ssyncset.done $0x0  }
0x75: {  	s30 =	sadd.s32 s26, s17;
	[sflag:s20] =	ssyncadd.s32 $0xFFFFFFB0  }
0x76: {  	[tilespmem:s21], [sflag:$0x2] =	stream.linear.gather [hbm4b:s30+s3], $0x50, $0x38;
	[tilespmem:$0x93A0] =	vst v63  }
0x77: {  	_ =	swait.ge [sflag:s20], $0x50  }
0x78: {  	[sflag:s20] =	ssyncset.done $0x0  }
0x79: {  	[sflag:s20] =	ssyncadd.s32 $0xFFFFFFB0  }
0x7a: {  	[tilespmem:s22], [sflag:$0x1] =	stream.indirect.gather [hbm4b:s4+s21], $0x30, s3, s21, $0xb8;
	[tilespmem:$0x93A0] =	vst v63  }
0x7b: {  	_ =	swait.ge [sflag:s23], $0xF00  }
0x7c: {  	[sflag:s23] =	ssyncset.done $0x0  }
0x7d: {  	[sflag:s23] =	ssyncadd.s32 $0xFFFFF100  }
0x7e: {  	[spmem:s2] =	stream.indirect.scatter.add.f32 [tilespmem:s22], [sflag:$0x2], $0x30, s21, s21, $0xb8;
	[tilespmem:$0x93A0] =	vst v63  }
0x7f: {  	_ =	swait.ge [sflag:s20], $0xF00  }
0x80: {  	s31 =	stileid.u32;
	s25 =	sadd.s32 $0x1, s25;
	[sflag:s20] =	ssyncset.done $0x0  }
0x81: {  	s0 =	sshll.u32 s31, $0x6;
	p0 =	sne.s32 s25, s6;
	[sflag:s20] =	ssyncadd.s32 $0xFFFFF100  }
.Ltmp2:
0x82: {  	s0 =	sor.u32 $0x1C02, s0;
	[bflag:$0x0] =	sbarrier.arrive $0xFFFF;
	(pc) =	sbr.rel @p0 .LBB2_1-.Ltmp2, $4  }
0x83: {  	[hbm:s5], [sflag:s0] =	dma.local [spmem:s24], $0xF00  }
0x84: {  	_ =	swait.ge [sflag:s20], $0xF00  }
0x85: {  	[sflag:s20] =	ssyncset.done $0x0  }
0x86: {  	[sflag:s20] =	ssyncadd.s32 $0xFFFFF100  }
0x87: {  	_ =	sfence.sel $0x180000  }
0x88: {  	[bflag:$0x0] =	sbarrier.arrive $0xFFFF  }
0x89: {  	_ =	strace $0x9000004D  }
0x8a: {  	s0 =	stileid.u32;
	[bflag:$0x2] =	sbarrier.arrive $0xFFFF  }
0x8b: {  	p0 =	sne.s32 s0, $0x0;
	s0 =	rddreg [dreg:$0x3]  }
0x8c: {  	s0 =	sadd.s32 @!p0 $0x100000, s0  }
0x8d: {  	[sflag:s0] =	ssyncadd.tile.s32 @!p0 $0x1;
	_ =	shalt  }
.Lfunc_end2:
_tile_overlayer_lowered:
.L_overlay_start_2:
0x8e: {  	(tag) =	ssettag $0x2  }
0x8f: {  	s0 =	rddreg [dreg:$0x0];
	s2 =	stileid.u32  }
0x90: {  	s1 =	rddreg [dreg:$0x1];
	p0 =	sne.s32 s2, $0x0  }
0x91: {  	s3 =	rddreg [dreg:$0x2];
	[bflag:$0x3] =	sbarrier.arrive $0xFFFF;
	s2 =	simm.s32 @!p0 $0x1C02  }
0x92: {  	[timem:s3], [sflag:s2] =	dma.local @!p0 [hbm:s0], s1  }
0x93: {  	s0 =	simm.s32 @!p0 $0x2  }
0x94: {  	_ =	swait.ge @!p0 [sflag:s0], s1  }
0x95: {  	s1 =	ssub.s32 @!p0 $0x0, s1;
	[sflag:s0] =	ssyncset.done @!p0 $0x0  }
0x96: {  	[sflag:s0] =	ssyncadd.s32 @!p0 s1  }
0x97: {  	[bflag:$0x3] =	sbarrier.arrive $0xFFFF  }
0x98: {  	_ =	shalt  }

// kernel: kernel.8.cloned.1.call-start
scs
__scs_entry_jumppad:
0x0: {  	(pc) =	sbr.rel $0x88, $3  }
0x1: {  	(tag) =	ssettag $0x0;
	lr =	simm.s32 $0x1  }
0x2: {  	[smem:$0x3F9B] =	sst lr;
	_ =	strace $0xD0000000  }
0x3: {  	_ = 	snop  }
0x4: {  	_ = 	snop  }
0x5: {  	_ = 	snop  }
0x6: {  	_ = 	snop  }
0x7: {  	_ = 	snop  }
__scs_overlays_trampoline_lowered:
0x8: {  	[smem:$0x3FAA] =	sst s0  }
0x9: {  	[smem:$0x3FAB] =	sst s1  }
0xa: {  	[smem:$0x3FAC] =	sst s2  }
0xb: {  	[smem:$0x3FAD] =	sst s3  }
0xc: {  	[smem:$0x3FAE] =	sst s4  }
0xd: {  	[smem:$0x3FAF] =	sst s5  }
0xe: {  	[smem:$0x3FB0] =	sst s6  }
0xf: {  	[smem:$0x3FB1] =	sst s7  }
0x10: {  	[smem:$0x3FB2] =	sst s8  }
0x11: {  	[smem:$0x3FB3] =	sst s9;
	s0 =	simm.s32 @!p0 $0x0  }
0x12: {  	s1 =	sld [smem:$0x3F99];
	s0 =	simm.s32 @p0 $0x1  }
0x13: {  	[smem:$0x3FB4] =	sst s0;
	s0 =	simm.s32 @!p1 $0x0  }
0x14: {  	s2 =	sld [smem:$0x3F98];
	s0 =	simm.s32 @p1 $0x1  }
0x15: {  	[smem:$0x3FB5] =	sst s0;
	s0 =	simm.s32 @!p2 $0x0  }
0x16: {  	s3 =	sld [smem:$0x3FDB];
	s0 =	simm.s32 @p2 $0x1  }
0x17: {  	s4 =	simm.s32 $0x1BF5;
	[smem:$0x3FB7] =	sst s0  }
0x18: {  	s0 =	sld [smem:$0x3F9A];
	_ =	swait.ge [sflag:s4], $0x0  }
0x19: {  	s7 =	sld [smem:$0x3F9B]  }
0x1a: {  	s8 =	sadd.s32 $0xFFFFE003, lr  }
0x1b: {  	s9 =	sadd.s32 $0xFFFFFEF7, lr;
	s5 =	simm.s32 $0xFFFFFFFF;
	p2 =	slt.u32 s8, $0xFFFFF086  }
0x1c: {  	p1 =	slt.u32 s9, $0xF7A;
	s5 =	simm.s32 @!p2 $0x0  }
0x1d: {  	s5 =	simm.s32 @p1 $0x1;
	p0 =	seq.s32 s7, s2  }
0x1e: {  	s7 =	smul.u32 @!p0 $0xF7A, s2;
	p2 =	seq.s32 @!p0 s5, $0x0  }
0x1f: {  	s9 =	smul.u32 $0xF7A, s1;
	s8 =	simm.s32 @!p0 $0x1BF5;
	p2 =	por !p2, p0  }
0x20: {  	[sflag:s8] =	ssyncset.s32 @!p0 $0xFFFFF086;
	s6 =	sadd.s32 @!p0 s3, s7;
	s7 =	simm.s32 @!p0 $0x108  }
0x21: {  	s3 =	sadd.s32 s3, s9;
	s6 =	sadd.s32 @!p0 $0x88, s6;
	s7 =	simm.s32 @p2 $0x1082  }
0x22: {  	[simem:s7], [sflag:s8] =	dma.local @!p0 [hbm:s6], $0xF7A  }
0x23: {  	s9 =	sor.u32 $0xD0000000, s2;
	s6 =	simm.s32 $0x108;
	_ =	swait.ge @!p0 [sflag:s8], $0x0  }
0x24: {  	s3 =	sadd.s32 $0x88, s3;
	s6 =	simm.s32 @!p1 $0x1082;
	[sflag:s4] =	ssyncset.s32 $0xFFFFF086  }
0x25: {  	[simem:s6], [sflag:s4] =	dma.local [hbm:s3], $0xF7A  }
0x26: {  	[smem:$0x3F9B] =	sst s1;
	(tag) =	ssettag s2;
	_ =	strace s9  }
0x27: {  	s1 =	sld [smem:$0x3FAB]  }
0x28: {  	s2 =	sld [smem:$0x3FAC]  }
0x29: {  	s4 =	sld [smem:$0x3FAE]  }
0x2a: {  	p0 =	seq.s32 s5, $0x0;
	s5 =	sld [smem:$0x3FAF]  }
0x2b: {  	s6 =	sld [smem:$0x3FB0]  }
0x2c: {  	s7 =	sld [smem:$0x3FB1]  }
0x2d: {  	s3 =	simm.s32 $0x108;
	s8 =	sld [smem:$0x3FB2]  }
0x2e: {  	s3 =	simm.s32 @!p0 $0x1082;
	s9 =	sld [smem:$0x3FB3]  }
0x2f: {  	lr =	sadd.s32 s0, s3;
	s0 =	sld [smem:$0x3FAA]  }
0x30: {  	s3 =	sld [smem:$0x3FAD]  }
0x31: {  	[smem:$0x3FB6] =	sst s10  }
0x32: {  	s10 =	sld [smem:$0x3FB4];
	_ =	sdelay $0x3  }
0x33: {  	p0 =	seq.s32 s10, $0x1;
	s10 =	sld [smem:$0x3FB6];
	_ =	sdelay $0x3  }
0x34: {  	[smem:$0x3FB6] =	sst s10  }
0x35: {  	s10 =	sld [smem:$0x3FB5];
	_ =	sdelay $0x3  }
0x36: {  	p1 =	seq.s32 s10, $0x1;
	s10 =	sld [smem:$0x3FB6];
	_ =	sdelay $0x3  }
0x37: {  	[smem:$0x3FB6] =	sst s10  }
0x38: {  	s10 =	sld [smem:$0x3FB7]  }
0x39: {  	_ = 	snop;
	(pc) =	sbr.ind lr, $3  }
0x3a: {  	_ = 	snop  }
0x3b: {  	_ = 	snop  }
0x3c: {  	p2 =	seq.s32 s10, $0x1;
	s10 =	sld [smem:$0x3FB6]  }
0x3d: {  	_ =	shalt  }
0x3e: {  	_ =	shalt  }
0x3f: {  	_ =	shalt  }
0x40: {  	_ =	shalt  }
0x41: {  	_ =	shalt  }
0x42: {  	_ =	shalt  }
0x43: {  	_ =	shalt  }
0x44: {  	_ =	shalt  }
0x45: {  	_ =	shalt  }
0x46: {  	_ =	shalt  }
0x47: {  	_ =	shalt  }
0x48: {  	_ =	shalt  }
0x49: {  	_ =	shalt  }
0x4a: {  	_ =	shalt  }
0x4b: {  	_ =	shalt  }
0x4c: {  	_ =	shalt  }
0x4d: {  	_ =	shalt  }
0x4e: {  	_ =	shalt  }
0x4f: {  	_ =	shalt  }
0x50: {  	_ =	shalt  }
0x51: {  	_ =	shalt  }
0x52: {  	_ =	shalt  }
0x53: {  	_ =	shalt  }
0x54: {  	_ =	shalt  }
0x55: {  	_ =	shalt  }
0x56: {  	_ =	shalt  }
0x57: {  	_ =	shalt  }
0x58: {  	_ =	shalt  }
0x59: {  	_ =	shalt  }
0x5a: {  	_ =	shalt  }
0x5b: {  	_ =	shalt  }
0x5c: {  	_ =	shalt  }
0x5d: {  	_ =	shalt  }
0x5e: {  	_ =	shalt  }
0x5f: {  	_ =	shalt  }
0x60: {  	_ =	shalt  }
0x61: {  	_ =	shalt  }
0x62: {  	_ =	shalt  }
0x63: {  	_ =	shalt  }
0x64: {  	_ =	shalt  }
0x65: {  	_ =	shalt  }
0x66: {  	_ =	shalt  }
0x67: {  	_ =	shalt  }
0x68: {  	_ =	shalt  }
0x69: {  	_ =	shalt  }
0x6a: {  	_ =	shalt  }
0x6b: {  	_ =	shalt  }
0x6c: {  	_ =	shalt  }
0x6d: {  	_ =	shalt  }
0x6e: {  	_ =	shalt  }
0x6f: {  	_ =	shalt  }
0x70: {  	_ =	shalt  }
0x71: {  	_ =	shalt  }
0x72: {  	_ =	shalt  }
0x73: {  	_ =	shalt  }
0x74: {  	_ =	shalt  }
0x75: {  	_ =	shalt  }
0x76: {  	_ =	shalt  }
0x77: {  	_ =	shalt  }
0x78: {  	_ =	shalt  }
0x79: {  	_ =	shalt  }
0x7a: {  	_ =	shalt  }
0x7b: {  	_ =	shalt  }
0x7c: {  	_ =	shalt  }
0x7d: {  	_ =	shalt  }
0x7e: {  	_ =	shalt  }
0x7f: {  	_ =	shalt  }
0x80: {  	_ =	shalt  }
0x81: {  	_ =	shalt  }
0x82: {  	_ =	shalt  }
0x83: {  	_ =	shalt  }
0x84: {  	_ =	shalt  }
0x85: {  	_ =	shalt  }
0x86: {  	_ =	shalt  }
0x87: {  	_ =	shalt  }
.Lfunc_end0:
.L_simem_size_0:
called_computation_lowered:
.L_overlay_start_0:
0x88: {  	s2 =	sld [smem:$0x3FD9]  }
0x89: {  	s3 =	sld [smem:$0x3FFE];
	_ =	sdelay $0x1  }
0x8a: {  	s1 =	srdreg.scid  }
0x8b: {  	s0 =	sand.u32 $0x1, s1  }
0x8c: {  	s16 =	sshll.u32 s0, $0xA;
	s2 =	sadd.s32 s3, s2  }
0x8d: {  	s2 =	sadd.s32 s2, s16  }
0x8e: {  	[smem:$0x3FC2] =	sst s2  }
0x8f: {  	_ = 	snop  }
0x90: {  	(tm) =	ssettm $0x1  }
0x91: {  	s17 =	sld [smem:$0x3FFB];
	_ =	sdelay $0x3  }
0x92: {  	_ =	strace s17  }
0x93: {  	s2 =	sld [smem:$0x3FFC];
	_ =	sdelay $0x3  }
0x94: {  	_ =	strace s2  }
0x95: {  	s2 =	sld [smem:$0x3FFD];
	_ =	sdelay $0x3  }
0x96: {  	_ =	strace s2  }
0x97: {  	_ =	strace $0x8FFFFFFF  }
0x98: {  	s18 =	sld [smem:$0x3FDB];
	_ =	sdelay $0x1  }
0x99: {  	s19 =	simm.s32 $_scs_section_size  }
0x9a: {  	s4 =	simm.s32 $_size__tile_overlayer_lowered;
	s5 =	simm.s32 $_tile_overlayer_lowered  }
0x9b: {  	s22 =	simm.s32 $0x1BFF;
	s21 =	sshll.u32 s5, $0x1;
	s2 =	sadd.s32 s19, s18  }
0x9c: {  	s6 =	simm.s32 $0x0;
	s20 =	sshll.u32 s4, $0x1;
	s4 =	sadd.s32 s21, s2  }
0x9d: {  	[timem:s6], [sflag:s22] =	dma.local [hbm:s4], s20  }
0x9e: {  	_ =	swait.ge [sflag:s22], s20  }
0x9f: {  	s3 =	ssub.s32 $0x0, s20;
	[sflag:s22] =	ssyncset.done $0x0  }
0xa0: {  	[sflag:s22] =	ssyncadd.s32 s3;
	_ =	sdelay $0x1  }
0xa1: {  	s23 =	simm.s32 $0x1B8B  }
0xa2: {  	_ =	swait.ge [sflag:s23], $0x1  }
0xa3: {  	[sflag:s23] =	ssyncset.done $0x0  }
0xa4: {  	s25 =	simm.s32 $0x1B8E;
	s24 =	sld [smem:$0x3FFE];
	[sflag:s23] =	ssyncadd.s32 $0xFFFFFFFF  }
0xa5: {  	s26 =	simm.s32 $execute0_lowered;
	[smem:$0x3FD2] =	sst s25  }
0xa6: {  	s4 =	sshll.u32 s26, $0x1;
	_ =	strace $0x80000046;
	[dreg:$0x1] =	wrdreg $0xFFFFFFFF  }
0xa7: {  	s28 =	simm.s32 $_size_execute0_lowered;
	s2 =	sadd.s32 s2, s4;
	[dreg:$0x0] =	wrdreg $0x0  }
0xa8: {  	s4 =	sshll.u32 s28, $0x1;
	[dreg:$0x2] =	wrdreg s2  }
0xa9: {  	[dreg:$0x3] =	wrdreg s4  }
0xaa: {  	[dreg:$0x4] =	wrdreg $0xC0  }
0xab: {  	_ =	task [dreg:s6], $0x5FFFF  }
0xac: {  	[dreg:$0x1] =	wrdreg $0xFFFFFFFF  }
0xad: {  	[dreg:$0x0] =	wrdreg $0x60  }
0xae: {  	[dreg:$0x2] =	wrdreg s24  }
0xaf: {  	[dreg:$0x3] =	wrdreg $0x3800  }
0xb0: {  	[dreg:$0x4] =	wrdreg $0x9  }
0xb1: {  	_ =	task.clear_ibuf [dreg:s6], $0x5FFFF;
	_ =	strace $0x90000046  }
0xb2: {  	s29 =	simm.s32 $0x9;
	_ =	strace $0x80000048  }
0xb3: {  	_ =	swait.ge [sflag:s29], $0x1  }
0xb4: {  	[sflag:s29] =	ssyncadd.s32 $0xFFFFFFFF  }
0xb5: {  	_ =	strace $0x90000048  }
0xb6: {  	_ =	sfence  }
0xb7: {  	s30 =	sld [smem:$0x0];
	_ =	sdelay $0x2  }
0xb8: {  	s31 =	sshll.u32 s1, $0xD;
	s1 =	sshrl.u32 s1, $0x2  }
0xb9: {  	s3 =	sand.u32 $0x4000, s31;
	s1 =	sadd.s32 s1, s30  }
0xba: {  	s0 =	sor.u32 s3, s0;
	s1 =	sshll.u32 s1, $0x11  }
0xbb: {  	s0 =	sor.u32 s1, s0  }
0xbc: {  	s0 =	sadd.s32 $0x8F2B, s0  }
0xbd: {  	[sflag:s0] =	ssyncadd.remote.s32 $0x1  }
0xbe: {  	_ =	sfence.sel $0xFFFF  }
0xbf: {  	[dreg:$0x0] =	wrdreg $0xFFFFFFFF;
	(pc) =	sbr.abs _section_cstart, $3  }
0xc0: {  	[dreg:$0x1] =	wrdreg $0xFFFFFFFF  }
0xc1: {  	_ =	task.clear_ibuf [dreg:s6], $0x2FFFF;
	_ =	strace $0x9FFFFFFF  }
0xc2: {  	(tm) =	ssettm $0x7FFFFFFF  }
0xc3: {  	_ =	shalt  }
tec
execute0_lowered:
.L_overlay_start_1:
0x0: {  	(tag) =	ssettag $0x1  }
0x1: {  	s4 =	rddreg [dreg:$0x0]  }
0x2: {  	s2 =	rddreg [dreg:$0x1]  }
0x3: {  	s0 =	rddreg [dreg:$0x2];
	s1 =	stileid.u32  }
0x4: {  	s5 =	srdreg.scid;
	s3 =	simm.s32 $0x0;
	s10 =	simm.s32 $0x50  }
0x5: {  	s11 =	simm.s32 $0x80;
	s14 =	simm.s32 $0x20;
	s15 =	simm.s32 $0x10  }
0x6: {  	s16 =	simm.s32 $0x0;
	s5 =	sand.u32 $0x1, s5;
	s6 =	smul.u32 $0x500, s1  }
0x7: {  	[smem:$0x7FF] =	sst s3;
	s8 =	sshll.u32 s1, $0xC;
	s9 =	smul.u32 $0xA00, s1  }
0x8: {  	s12 =	sshll.u32 s1, $0x6;
	s7 =	sshll.u32 s5, $0x7;
	_ =	strace $0x80000047  }
0x9: {  	s28 =	ssub.s32 $0x2, s5;
	s8 =	sadd.s32 s8, s4;
	s31 =	sshll.u32 s5, $0xB  }
0xa: {  	s12 =	sor.u32 $0x1C01, s12;
	s6 =	sor.u32 s7, s6;
	s29 =	sshrl.u32 s28, $0x1  }
0xb: {  	s30 =	sshrl.u32 s9, $0x2;
	s8 =	sadd.s32 s31, s8;
	s6 =	sshrl.u32 s6, $0x3  }
0xc: {  	s9 =	simm.s32 $0x1;
	s7 =	ssub.s32 s28, s29;
	s6 =	sadd.s32 s6, s4  }
0xd: {  	s4 =	sadd.s32 s30, s2;
	s5 =	sadd.s32 $0x1BA00, s6;
	s6 =	smax.u32 s7, $0x1  }
0xe: {  	v0 =	vimm.f32 $1.000000000e+00;
	v1 =	vimm.f32 $0.0e+00;
	s7 =	sadd.s32 $0xBA00, s8;
	s8 =	simm.s32 $0x100;
	s13 =	sshrl.u32 s4, $0x3  }
.LBB2_1:
0xf: {  	[tilespmem:$0x80] =	vst v0  }
0x10: {  	[tilespmem:$0x90] =	vst v0  }
0x11: {  	[tilespmem:$0xA0] =	vst v0  }
0x12: {  	[tilespmem:$0xB0] =	vst v0  }
0x13: {  	[tilespmem:$0xC0] =	vst v0  }
0x14: {  	[tilespmem:$0x100] =	vst v1  }
0x15: {  	[tilespmem:$0x110] =	vst v1  }
0x16: {  	[tilespmem:$0x120] =	vst v1  }
0x17: {  	[tilespmem:$0x130] =	vst v1  }
0x18: {  	[tilespmem:$0x140] =	vst v1  }
0x19: {  	[tilespmem:$0x150] =	vst v1  }
0x1a: {  	[tilespmem:$0x160] =	vst v1  }
0x1b: {  	[tilespmem:$0x170] =	vst v1  }
0x1c: {  	[tilespmem:$0x180] =	vst v1  }
0x1d: {  	[tilespmem:$0x190] =	vst v1  }
0x1e: {  	[tilespmem:$0x1A0] =	vst v1  }
0x1f: {  	[tilespmem:$0x1B0] =	vst v1  }
0x20: {  	[tilespmem:$0x1C0] =	vst v1  }
0x21: {  	[tilespmem:$0x1D0] =	vst v1  }
0x22: {  	[tilespmem:$0x1E0] =	vst v1  }
0x23: {  	[tilespmem:$0x1F0] =	vst v1  }
0x24: {  	[tilespmem:$0x200] =	vst v1  }
0x25: {  	[tilespmem:$0x210] =	vst v1  }
0x26: {  	[tilespmem:$0x220] =	vst v1  }
0x27: {  	[tilespmem:$0x230] =	vst v1  }
0x28: {  	[tilespmem:$0x240] =	vst v1  }
0x29: {  	[tilespmem:$0x250] =	vst v1  }
0x2a: {  	[tilespmem:$0x260] =	vst v1  }
0x2b: {  	[tilespmem:$0x270] =	vst v1  }
0x2c: {  	[tilespmem:$0x280] =	vst v1  }
0x2d: {  	[tilespmem:$0x290] =	vst v1  }
0x2e: {  	[tilespmem:$0x2A0] =	vst v1  }
0x2f: {  	[tilespmem:$0x2B0] =	vst v1  }
0x30: {  	[tilespmem:$0x2C0] =	vst v1  }
0x31: {  	[tilespmem:$0x2D0] =	vst v1  }
0x32: {  	[tilespmem:$0x2E0] =	vst v1  }
0x33: {  	[tilespmem:$0x2F0] =	vst v1  }
0x34: {  	[tilespmem:$0x300] =	vst v1  }
0x35: {  	[tilespmem:$0x310] =	vst v1  }
0x36: {  	[tilespmem:$0x320] =	vst v1  }
0x37: {  	[tilespmem:$0x330] =	vst v1  }
0x38: {  	[tilespmem:$0x340] =	vst v1  }
0x39: {  	[tilespmem:$0x350] =	vst v1  }
0x3a: {  	[tilespmem:$0x360] =	vst v1  }
0x3b: {  	[tilespmem:$0x370] =	vst v1  }
0x3c: {  	[spmem:s4] =	stream.linear.scatter [tilespmem:s8], [sflag:$0x1], $0x280, $0x38;
	[tilespmem:$0x600] =	vst v63  }
0x3d: {  	_ =	swait.ge [sflag:s9], $0x280  }
0x3e: {  	[sflag:s9] =	ssyncset.done $0x0  }
0x3f: {  	[sflag:s9] =	ssyncadd.s32 $0xFFFFFD80  }
0x40: {  	s17 =	sadd.s32 $0x0, s7;
	[bflag:$0x0] =	sbarrier.arrive $0xFFFF  }
0x41: {  	[tilespmem:s3], [sflag:$0x1] =	stream.linear.gather [hbm4b:s17+s3], $0x80, $0x38;
	[tilespmem:$0x600] =	vst v63  }
0x42: {  	_ =	swait.ge [sflag:s9], $0x80  }
0x43: {  	[sflag:s9] =	ssyncset.done $0x0  }
0x44: {  	[sflag:s9] =	ssyncadd.s32 $0xFFFFFF80  }
0x45: {  	[spmem:s2] =	stream.indirect.scatter.add.f32 [tilespmem:s11], [sflag:$0x1], $0x1, s3, s10, $0xb8;
	[tilespmem:$0x600] =	vst v63  }
0x46: {  	_ =	swait.ge [sflag:s9], $0x50  }
0x47: {  	s18 =	simm.s32 $0x20;
	s17 =	simm.s32 $0x10;
	[sflag:s9] =	ssyncset.done $0x0  }
.LBB2_2:
0x48: {  	s19 =	sadd.s32 s17, s7  }
0x49: {  	[sflag:s9] =	ssyncadd.s32 $0xFFFFFFB0;
	s17 =	smov.u32 s18;
	s20 =	sadd.s32 $0x10, s18  }
0x4a: {  	[tilespmem:s3], [sflag:$0x1] =	stream.linear.gather [hbm4b:s19+s3], $0x80, $0x38;
	[tilespmem:$0x600] =	vst v63  }
0x4b: {  	p0 =	sne.s32 s18, $0x7C0;
	_ =	swait.ge [sflag:s9], $0x80  }
.Ltmp0:
0x4c: {  	[sflag:s9] =	ssyncset.done $0x0;
	(pc) =	sbr.rel @p0 .LBB2_2-.Ltmp0, $4  }
0x4d: {  	[sflag:s9] =	ssyncadd.s32 $0xFFFFFF80  }
0x4e: {  	[spmem:s2] =	stream.indirect.scatter.add.f32 [tilespmem:s11], [sflag:$0x1], $0x1, s3, s10, $0xb8;
	[tilespmem:$0x600] =	vst v63  }
0x4f: {  	_ =	swait.ge [sflag:s9], $0x50  }
0x50: {  	s18 =	smov.u32 s20;
	[sflag:s9] =	ssyncset.done $0x0  }
0x51: {  	s17 =	sadd.s32 s17, s7;
	[sflag:s9] =	ssyncadd.s32 $0xFFFFFFB0  }
0x52: {  	[tilespmem:s3], [sflag:$0x1] =	stream.linear.gather [hbm4b:s17+s3], $0x80, $0x38;
	[tilespmem:$0x600] =	vst v63  }
0x53: {  	_ =	swait.ge [sflag:s9], $0x80  }
0x54: {  	[sflag:s9] =	ssyncset.done $0x0  }
0x55: {  	[sflag:s9] =	ssyncadd.s32 $0xFFFFFF80  }
0x56: {  	[spmem:s2] =	stream.indirect.scatter.add.f32 [tilespmem:s11], [sflag:$0x1], $0x1, s3, s10, $0xb8;
	[tilespmem:$0x600] =	vst v63  }
0x57: {  	_ =	swait.ge [sflag:s9], $0x50  }
0x58: {  	s16 =	sadd.s32 $0x1, s16;
	[sflag:s9] =	ssyncset.done $0x0  }
0x59: {  	p0 =	sne.s32 s16, s6;
	[sflag:s9] =	ssyncadd.s32 $0xFFFFFFB0  }
.Ltmp1:
0x5a: {  	[bflag:$0x0] =	sbarrier.arrive $0xFFFF;
	(pc) =	sbr.rel @p0 .LBB2_1-.Ltmp1, $4  }
0x5b: {  	[hbm:s5@s14], [sflag:s12] =	dma.strided [spmem:s13@s15], $0x50, s9, $0x10   }
0x5c: {  	_ =	swait.ge [sflag:s9], $0x50  }
0x5d: {  	[sflag:s9] =	ssyncset.done $0x0  }
0x5e: {  	[sflag:s9] =	ssyncadd.s32 $0xFFFFFFB0  }
0x5f: {  	_ =	sfence.sel $0x180000  }
0x60: {  	[bflag:$0x0] =	sbarrier.arrive $0xFFFF  }
0x61: {  	p0 =	sne.s32 s1, $0x0;
	_ =	strace $0x90000047  }
0x62: {  	s0 =	sadd.s32 @!p0 $0x100000, s0;
	[bflag:$0x2] =	sbarrier.arrive $0xFFFF  }
0x63: {  	[sflag:s0] =	ssyncadd.tile.s32 @!p0 $0x1;
	_ =	shalt  }
.Lfunc_end2:
_tile_overlayer_lowered:
.L_overlay_start_2:
0x64: {  	(tag) =	ssettag $0x2  }
0x65: {  	s0 =	rddreg [dreg:$0x0];
	s2 =	stileid.u32  }
0x66: {  	s1 =	rddreg [dreg:$0x1];
	p0 =	sne.s32 s2, $0x0  }
0x67: {  	s3 =	rddreg [dreg:$0x2];
	[bflag:$0x3] =	sbarrier.arrive $0xFFFF;
	s2 =	simm.s32 @!p0 $0x1C01  }
0x68: {  	[timem:s3], [sflag:s2] =	dma.local @!p0 [hbm:s0], s1  }
0x69: {  	s0 =	simm.s32 @!p0 $0x1  }
0x6a: {  	_ =	swait.ge @!p0 [sflag:s0], s1  }
0x6b: {  	s1 =	ssub.s32 @!p0 $0x0, s1;
	[sflag:s0] =	ssyncset.done @!p0 $0x0  }
0x6c: {  	[sflag:s0] =	ssyncadd.s32 @!p0 s1  }
0x6d: {  	[bflag:$0x3] =	sbarrier.arrive $0xFFFF  }
0x6e: {  	_ =	shalt  }

</sc_bundles>
